<compile_context>
chip_gen: v7x
topology: tpu7x:2x2x1
jax: 0.10.2.dev20260603
libtpu: 0.0.44.dev20260713+nightly
codegen_flags: <defaults>
</compile_context>

<pallas_src>
import functools
import jax
import jax.numpy as jnp
from jax import lax
from jax.experimental import pallas as pl
from jax.experimental.pallas import tpu as pltpu
from jax.experimental.pallas import tpu_sc as plsc

_B, _N, _CIN, _COUT = 8, 1000000, 4, 3
_NW = 32
_CL = 3456
_NU = _N // _CL
_TAIL0 = _NU * _CL
_TAILA = (_N - _TAIL0) // 128 * 128
_TAILB0 = _TAIL0 + _TAILA
_TAILBLEN = _N - _TAILB0
_TAILW = _NW - 1
_PSRC = (3, 1, 2)

_mesh = plsc.VectorSubcoreMesh(core_axis_name="c", subcore_axis_name="s")


@functools.partial(
    pl.kernel,
    mesh=_mesh,
    out_type=jax.ShapeDtypeStruct((_COUT, _B, _N), jnp.float32),
    scratch_types=[
        pltpu.VMEM((_B, _CIN, _CL), jnp.float32),
        pltpu.VMEM((_B, _CIN, _TAILBLEN), jnp.float32),
    ],
    compiler_params=pltpu.CompilerParams(needs_layout_passes=False),
)
def _sph2vec_sc(xt_hbm, out_hbm, in_v, tail_v):
    cid = lax.axis_index("c")
    sid = lax.axis_index("s")
    wid = sid * 2 + cid
    n_units = (_NU - wid + _NW - 1) // _NW

    def unit_body(u, carry):
        n0 = (u * _NW + wid) * _CL
        pltpu.sync_copy(xt_hbm.at[:, :, pl.ds(n0, _CL)], in_v)
        for ch in range(_COUT):
            pltpu.sync_copy(
                in_v.at[:, _PSRC[ch], :], out_hbm.at[ch, :, pl.ds(n0, _CL)]
            )
        return carry

    lax.fori_loop(0, n_units, unit_body, 0)

    @pl.when(wid == _TAILW)
    def _tail():
        pltpu.sync_copy(
            xt_hbm.at[:, :, pl.ds(_TAIL0, _TAILA)],
            in_v.at[:, :, pl.ds(0, _TAILA)],
        )
        for ch in range(_COUT):
            pltpu.sync_copy(
                in_v.at[:, _PSRC[ch], pl.ds(0, _TAILA)],
                out_hbm.at[ch, :, pl.ds(_TAIL0, _TAILA)],
            )
        pltpu.sync_copy(xt_hbm.at[:, :, pl.ds(_TAILB0, _TAILBLEN)], tail_v)
        for ch in range(_COUT):
            pltpu.sync_copy(
                tail_v.at[:, _PSRC[ch], :],
                out_hbm.at[ch, :, pl.ds(_TAILB0, _TAILBLEN)],
            )


def kernel(x):
    xt = jnp.transpose(x, (0, 2, 1))
    out_t = _sph2vec_sc(xt)
    return jnp.transpose(out_t, (1, 2, 0))

# --- scband reference (transcript-rebuilt; emitter-appended) ---
"""Pipeline reference for scband-sph2-vec-62835371540565 (READ-ONLY COPY).

The authoritative reference and input builder live on the scoring server;
editing this copy changes nothing except your own understanding.
"""

import jax, jax.numpy as jnp
import numpy as np


def setup_inputs(seed: int = 0) -> dict:
    key = jax.random.key(seed)
    x = jax.random.normal(key, (8, 1000000, 4), dtype=jnp.float32)
    return {"x": x}


def reference(x):
    # SPH2VEC: drop constant SH coefficient (index 0), then permute the
    # remaining 3 coefficients with idxmap = [2, 0, 1] along dim 2.
    idx = jnp.array([2, 0, 1], dtype=jnp.int32)
    v = jnp.take(x[..., 1:], idx, axis=2)
    return v

if __name__ == "__main__":
    import jax
    _d = setup_inputs()
    print(jax.jit(kernel)(*tuple(_d.values())))

</pallas_src>

<mosaic_0001>
#map = affine_map<(d0, d1) -> (0, 0, 0)>
module attributes {stable_mosaic.version = 14 : i64} {
  func.func @_sph2vec_sc(%arg0: i32, %arg1: i32, %arg2: memref<8x4x1000000xf32, #tpu.memory_space<hbm>>, %arg3: memref<3x8x1000000xf32, #tpu.memory_space<hbm>>, %arg4: memref<8x4x3456xf32, #tpu.memory_space<vmem>>, %arg5: memref<8x4x64xf32, #tpu.memory_space<vmem>>) attributes {dimension_semantics = [#tpu.dimension_semantics<core_parallel>, #tpu.dimension_semantics<subcore_parallel>], iteration_bounds = array<i64: 2, 16>, scalar_prefetch = 0 : i64, scratch_operands = 2 : i64, tpu.core_type = #tpu.core_type<sc_vector_subcore>, window_params = [{transform_indices = #map}, {transform_indices = #map}]} {
    %mul3A = arith.constant 2 : i32
    %mul3A_0 = arith.muli %arg1, %mul3A : i32
    %add3A = arith.addi %mul3A_0, %arg0 : i32
    %sub3A = arith.constant 289 : i32
    %sub3A_1 = arith.subi %sub3A, %add3A : i32
    %add3A_2 = arith.constant 32 : i32
    %add3A_3 = arith.addi %sub3A_1, %add3A_2 : i32
    %sub3A_4 = arith.constant 1 : i32
    %sub3A_5 = arith.subi %add3A_3, %sub3A_4 : i32
    %jit3A = arith.constant 32 : i32
    %div3A = arith.divsi %sub3A_5, %jit3A : i32
    %sign3A = arith.constant 0 : i32
    %sign3A_6 = arith.cmpi sgt, %sub3A_5, %sign3A : i32
    %sign3A_7 = arith.extui %sign3A_6 : i1 to i32
    %sign3A_8 = arith.constant 0 : i32
    %sign3A_9 = arith.cmpi slt, %sub3A_5, %sign3A_8 : i32
    %sign3A_10 = arith.extui %sign3A_9 : i1 to i32
    %sign3A_11 = arith.subi %sign3A_7, %sign3A_10 : i32
    %sign3A_12 = arith.constant 0 : i32
    %sign3A_13 = arith.cmpi sgt, %jit3A, %sign3A_12 : i32
    %sign3A_14 = arith.extui %sign3A_13 : i1 to i32
    %sign3A_15 = arith.constant 0 : i32
    %sign3A_16 = arith.cmpi slt, %jit3A, %sign3A_15 : i32
    %sign3A_17 = arith.extui %sign3A_16 : i1 to i32
    %sign3A_18 = arith.subi %sign3A_14, %sign3A_17 : i32
    %ne3A = arith.cmpi ne, %sign3A_11, %sign3A_18 : i32
    %rem3A = arith.remsi %sub3A_5, %jit3A : i32
    %ne3A_19 = arith.constant 0 : i32
    %ne3A_20 = arith.cmpi ne, %rem3A, %ne3A_19 : i32
    %and3A = arith.andi %ne3A, %ne3A_20 : i1
    %sub3A_21 = arith.constant 1 : i32
    %sub3A_22 = arith.subi %div3A, %sub3A_21 : i32
    %select_n3A = arith.select %and3A, %sub3A_22, %div3A : i32
    %while3A = arith.constant 0 : i32
    %while3A_23 = arith.constant 0 : i32
    %while3A_24 = arith.subi %select_n3A, %while3A_23 : i32
    %while3A_25 = arith.addi %while3A_23, %while3A_24 : i32
    %while3A_26 = arith.constant 1 : i32
    %while3A_27 = arith.divsi %while3A_24, %while3A_26 : i32
    %while3A_28 = arith.muli %while3A_27, %while3A_26 : i32
    %while3A_29 = arith.addi %while3A_23, %while3A_28 : i32
    %while3A_30 = arith.constant 1 : i32
    scf.for %while3A_34 = %while3A_23 to %while3A_29 step %while3A_30  : i32 {
      %mul3A_35 = arith.constant 32 : i32
      %mul3A_36 = arith.muli %while3A_34, %mul3A_35 : i32
      %add3A_37 = arith.addi %mul3A_36, %add3A : i32
      %mul3A_38 = arith.constant 3456 : i32
      %mul3A_39 = arith.muli %add3A_37, %mul3A_38 : i32
      "tpu.region"() ({
        %run_scoped3A_45 = tpu.sem_alloc : memref<!tpu.dma_semaphore, #tpu.memory_space<semaphore_mem>>
        %dma_start3A = arith.constant 0 : i32
        %dma_start3A_46 = arith.constant 0 : i32
        %dma_start3A_47 = tpu.memref_slice %arg2[%dma_start3A, %dma_start3A_46, %mul3A_39] : memref<8x4x1000000xf32, #tpu.memory_space<hbm>> -> memref<8x4x3456xf32, #tpu.memory_space<hbm>>
        %dma_start3A_48 = arith.constant 0 : i32
        %dma_start3A_49 = arith.constant 0 : i32
        %dma_start3A_50 = tpu.memref_slice %arg2[%dma_start3A_48, %dma_start3A_49, %mul3A_39] : memref<8x4x1000000xf32, #tpu.memory_space<hbm>> -> memref<8x4x3456xf32, #tpu.memory_space<hbm>>
        tpu.enqueue_dma source(%dma_start3A_50 : memref<8x4x3456xf32, #tpu.memory_space<hbm>>) target(%arg4 : memref<8x4x3456xf32, #tpu.memory_space<vmem>>) target_semaphore(%run_scoped3A_45 : memref<!tpu.dma_semaphore, #tpu.memory_space<semaphore_mem>>)
        %dma_wait3A = arith.constant 0 : i32
        %dma_wait3A_51 = arith.constant 0 : i32
        %dma_wait3A_52 = tpu.memref_slice %arg2[%dma_wait3A, %dma_wait3A_51, %mul3A_39] : memref<8x4x1000000xf32, #tpu.memory_space<hbm>> -> memref<8x4x3456xf32, #tpu.memory_space<hbm>>
        %dma_wait3A_53 = arith.constant 0 : i32
        %dma_wait3A_54 = arith.constant 0 : i32
        %dma_wait3A_55 = tpu.memref_slice %arg2[%dma_wait3A_53, %dma_wait3A_54, %mul3A_39] : memref<8x4x1000000xf32, #tpu.memory_space<hbm>> -> memref<8x4x3456xf32, #tpu.memory_space<hbm>>
        tpu.wait_dma2 semaphore(%run_scoped3A_45 : memref<!tpu.dma_semaphore, #tpu.memory_space<semaphore_mem>>) src(%dma_wait3A_55 : memref<8x4x3456xf32, #tpu.memory_space<hbm>>) dst(%arg4 : memref<8x4x3456xf32, #tpu.memory_space<vmem>>)
        tpu.yield
      }) : () -> ()
      %run_scoped3A = arith.constant 3 : i32
      %run_scoped3A_40 = arith.constant 0 : i32
      "tpu.region"() ({
        %run_scoped3A_45 = tpu.sem_alloc : memref<!tpu.dma_semaphore, #tpu.memory_space<semaphore_mem>>
        %dma_start3A = arith.constant 0 : i32
        %dma_start3A_46 = arith.constant 0 : i32
        %dma_start3A_47 = tpu.memref_slice %arg4[%dma_start3A, %run_scoped3A, %dma_start3A_46] : memref<8x4x3456xf32, #tpu.memory_space<vmem>> -> memref<8x1x3456xf32, #tpu.memory_space<vmem>>
        %dma_start3A_48 = tpu.memref_squeeze %dma_start3A_47 : memref<8x1x3456xf32, #tpu.memory_space<vmem>> -> memref<8x3456xf32, #tpu.memory_space<vmem>>
        %dma_start3A_49 = arith.constant 0 : i32
        %dma_start3A_50 = tpu.memref_slice %arg3[%run_scoped3A_40, %dma_start3A_49, %mul3A_39] : memref<3x8x1000000xf32, #tpu.memory_space<hbm>> -> memref<1x8x3456xf32, #tpu.memory_space<hbm>>
        %dma_start3A_51 = tpu.memref_squeeze %dma_start3A_50 : memref<1x8x3456xf32, #tpu.memory_space<hbm>> -> memref<8x3456xf32, #tpu.memory_space<hbm>>
        %dma_start3A_52 = arith.constant 0 : i32
        %dma_start3A_53 = tpu.memref_slice %arg3[%run_scoped3A_40, %dma_start3A_52, %mul3A_39] : memref<3x8x1000000xf32, #tpu.memory_space<hbm>> -> memref<1x8x3456xf32, #tpu.memory_space<hbm>>
        %dma_start3A_54 = tpu.memref_squeeze %dma_start3A_53 : memref<1x8x3456xf32, #tpu.memory_space<hbm>> -> memref<8x3456xf32, #tpu.memory_space<hbm>>
        %dma_start3A_55 = arith.constant 0 : i32
        %dma_start3A_56 = arith.constant 0 : i32
        %dma_start3A_57 = tpu.memref_slice %arg4[%dma_start3A_55, %run_scoped3A, %dma_start3A_56] : memref<8x4x3456xf32, #tpu.memory_space<vmem>> -> memref<8x1x3456xf32, #tpu.memory_space<vmem>>
        %dma_start3A_58 = tpu.memref_squeeze %dma_start3A_57 : memref<8x1x3456xf32, #tpu.memory_space<vmem>> -> memref<8x3456xf32, #tpu.memory_space<vmem>>
        tpu.enqueue_dma source(%dma_start3A_58 : memref<8x3456xf32, #tpu.memory_space<vmem>>) target(%dma_start3A_54 : memref<8x3456xf32, #tpu.memory_space<hbm>>) target_semaphore(%run_scoped3A_45 : memref<!tpu.dma_semaphore, #tpu.memory_space<semaphore_mem>>)
        %dma_wait3A = arith.constant 0 : i32
        %dma_wait3A_59 = arith.constant 0 : i32
        %dma_wait3A_60 = tpu.memref_slice %arg4[%dma_wait3A, %run_scoped3A, %dma_wait3A_59] : memref<8x4x3456xf32, #tpu.memory_space<vmem>> -> memref<8x1x3456xf32, #tpu.memory_space<vmem>>
        %dma_wait3A_61 = tpu.memref_squeeze %dma_wait3A_60 : memref<8x1x3456xf32, #tpu.memory_space<vmem>> -> memref<8x3456xf32, #tpu.memory_space<vmem>>
        %dma_wait3A_62 = arith.constant 0 : i32
        %dma_wait3A_63 = tpu.memref_slice %arg3[%run_scoped3A_40, %dma_wait3A_62, %mul3A_39] : memref<3x8x1000000xf32, #tpu.memory_space<hbm>> -> memref<1x8x3456xf32, #tpu.memory_space<hbm>>
        %dma_wait3A_64 = tpu.memref_squeeze %dma_wait3A_63 : memref<1x8x3456xf32, #tpu.memory_space<hbm>> -> memref<8x3456xf32, #tpu.memory_space<hbm>>
        %dma_wait3A_65 = arith.constant 0 : i32
        %dma_wait3A_66 = tpu.memref_slice %arg3[%run_scoped3A_40, %dma_wait3A_65, %mul3A_39] : memref<3x8x1000000xf32, #tpu.memory_space<hbm>> -> memref<1x8x3456xf32, #tpu.memory_space<hbm>>
        %dma_wait3A_67 = tpu.memref_squeeze %dma_wait3A_66 : memref<1x8x3456xf32, #tpu.memory_space<hbm>> -> memref<8x3456xf32, #tpu.memory_space<hbm>>
        %dma_wait3A_68 = arith.constant 0 : i32
        %dma_wait3A_69 = arith.constant 0 : i32
        %dma_wait3A_70 = tpu.memref_slice %arg4[%dma_wait3A_68, %run_scoped3A, %dma_wait3A_69] : memref<8x4x3456xf32, #tpu.memory_space<vmem>> -> memref<8x1x3456xf32, #tpu.memory_space<vmem>>
        %dma_wait3A_71 = tpu.memref_squeeze %dma_wait3A_70 : memref<8x1x3456xf32, #tpu.memory_space<vmem>> -> memref<8x3456xf32, #tpu.memory_space<vmem>>
        tpu.wait_dma2 semaphore(%run_scoped3A_45 : memref<!tpu.dma_semaphore, #tpu.memory_space<semaphore_mem>>) src(%dma_wait3A_71 : memref<8x3456xf32, #tpu.memory_space<vmem>>) dst(%dma_wait3A_67 : memref<8x3456xf32, #tpu.memory_space<hbm>>)
        tpu.yield
      }) : () -> ()
      %run_scoped3A_41 = arith.constant 1 : i32
      %run_scoped3A_42 = arith.constant 1 : i32
      "tpu.region"() ({
        %run_scoped3A_45 = tpu.sem_alloc : memref<!tpu.dma_semaphore, #tpu.memory_space<semaphore_mem>>
        %dma_start3A = arith.constant 0 : i32
        %dma_start3A_46 = arith.constant 0 : i32
        %dma_start3A_47 = tpu.memref_slice %arg4[%dma_start3A, %run_scoped3A_41, %dma_start3A_46] : memref<8x4x3456xf32, #tpu.memory_space<vmem>> -> memref<8x1x3456xf32, #tpu.memory_space<vmem>>
        %dma_start3A_48 = tpu.memref_squeeze %dma_start3A_47 : memref<8x1x3456xf32, #tpu.memory_space<vmem>> -> memref<8x3456xf32, #tpu.memory_space<vmem>>
        %dma_start3A_49 = arith.constant 0 : i32
        %dma_start3A_50 = tpu.memref_slice %arg3[%run_scoped3A_42, %dma_start3A_49, %mul3A_39] : memref<3x8x1000000xf32, #tpu.memory_space<hbm>> -> memref<1x8x3456xf32, #tpu.memory_space<hbm>>
        %dma_start3A_51 = tpu.memref_squeeze %dma_start3A_50 : memref<1x8x3456xf32, #tpu.memory_space<hbm>> -> memref<8x3456xf32, #tpu.memory_space<hbm>>
        %dma_start3A_52 = arith.constant 0 : i32
        %dma_start3A_53 = tpu.memref_slice %arg3[%run_scoped3A_42, %dma_start3A_52, %mul3A_39] : memref<3x8x1000000xf32, #tpu.memory_space<hbm>> -> memref<1x8x3456xf32, #tpu.memory_space<hbm>>
        %dma_start3A_54 = tpu.memref_squeeze %dma_start3A_53 : memref<1x8x3456xf32, #tpu.memory_space<hbm>> -> memref<8x3456xf32, #tpu.memory_space<hbm>>
        %dma_start3A_55 = arith.constant 0 : i32
        %dma_start3A_56 = arith.constant 0 : i32
        %dma_start3A_57 = tpu.memref_slice %arg4[%dma_start3A_55, %run_scoped3A_41, %dma_start3A_56] : memref<8x4x3456xf32, #tpu.memory_space<vmem>> -> memref<8x1x3456xf32, #tpu.memory_space<vmem>>
        %dma_start3A_58 = tpu.memref_squeeze %dma_start3A_57 : memref<8x1x3456xf32, #tpu.memory_space<vmem>> -> memref<8x3456xf32, #tpu.memory_space<vmem>>
        tpu.enqueue_dma source(%dma_start3A_58 : memref<8x3456xf32, #tpu.memory_space<vmem>>) target(%dma_start3A_54 : memref<8x3456xf32, #tpu.memory_space<hbm>>) target_semaphore(%run_scoped3A_45 : memref<!tpu.dma_semaphore, #tpu.memory_space<semaphore_mem>>)
        %dma_wait3A = arith.constant 0 : i32
        %dma_wait3A_59 = arith.constant 0 : i32
        %dma_wait3A_60 = tpu.memref_slice %arg4[%dma_wait3A, %run_scoped3A_41, %dma_wait3A_59] : memref<8x4x3456xf32, #tpu.memory_space<vmem>> -> memref<8x1x3456xf32, #tpu.memory_space<vmem>>
        %dma_wait3A_61 = tpu.memref_squeeze %dma_wait3A_60 : memref<8x1x3456xf32, #tpu.memory_space<vmem>> -> memref<8x3456xf32, #tpu.memory_space<vmem>>
        %dma_wait3A_62 = arith.constant 0 : i32
        %dma_wait3A_63 = tpu.memref_slice %arg3[%run_scoped3A_42, %dma_wait3A_62, %mul3A_39] : memref<3x8x1000000xf32, #tpu.memory_space<hbm>> -> memref<1x8x3456xf32, #tpu.memory_space<hbm>>
        %dma_wait3A_64 = tpu.memref_squeeze %dma_wait3A_63 : memref<1x8x3456xf32, #tpu.memory_space<hbm>> -> memref<8x3456xf32, #tpu.memory_space<hbm>>
        %dma_wait3A_65 = arith.constant 0 : i32
        %dma_wait3A_66 = tpu.memref_slice %arg3[%run_scoped3A_42, %dma_wait3A_65, %mul3A_39] : memref<3x8x1000000xf32, #tpu.memory_space<hbm>> -> memref<1x8x3456xf32, #tpu.memory_space<hbm>>
        %dma_wait3A_67 = tpu.memref_squeeze %dma_wait3A_66 : memref<1x8x3456xf32, #tpu.memory_space<hbm>> -> memref<8x3456xf32, #tpu.memory_space<hbm>>
        %dma_wait3A_68 = arith.constant 0 : i32
        %dma_wait3A_69 = arith.constant 0 : i32
        %dma_wait3A_70 = tpu.memref_slice %arg4[%dma_wait3A_68, %run_scoped3A_41, %dma_wait3A_69] : memref<8x4x3456xf32, #tpu.memory_space<vmem>> -> memref<8x1x3456xf32, #tpu.memory_space<vmem>>
        %dma_wait3A_71 = tpu.memref_squeeze %dma_wait3A_70 : memref<8x1x3456xf32, #tpu.memory_space<vmem>> -> memref<8x3456xf32, #tpu.memory_space<vmem>>
        tpu.wait_dma2 semaphore(%run_scoped3A_45 : memref<!tpu.dma_semaphore, #tpu.memory_space<semaphore_mem>>) src(%dma_wait3A_71 : memref<8x3456xf32, #tpu.memory_space<vmem>>) dst(%dma_wait3A_67 : memref<8x3456xf32, #tpu.memory_space<hbm>>)
        tpu.yield
      }) : () -> ()
      %run_scoped3A_43 = arith.constant 2 : i32
      %run_scoped3A_44 = arith.constant 2 : i32
      "tpu.region"() ({
        %run_scoped3A_45 = tpu.sem_alloc : memref<!tpu.dma_semaphore, #tpu.memory_space<semaphore_mem>>
        %dma_start3A = arith.constant 0 : i32
        %dma_start3A_46 = arith.constant 0 : i32
        %dma_start3A_47 = tpu.memref_slice %arg4[%dma_start3A, %run_scoped3A_43, %dma_start3A_46] : memref<8x4x3456xf32, #tpu.memory_space<vmem>> -> memref<8x1x3456xf32, #tpu.memory_space<vmem>>
        %dma_start3A_48 = tpu.memref_squeeze %dma_start3A_47 : memref<8x1x3456xf32, #tpu.memory_space<vmem>> -> memref<8x3456xf32, #tpu.memory_space<vmem>>
        %dma_start3A_49 = arith.constant 0 : i32
        %dma_start3A_50 = tpu.memref_slice %arg3[%run_scoped3A_44, %dma_start3A_49, %mul3A_39] : memref<3x8x1000000xf32, #tpu.memory_space<hbm>> -> memref<1x8x3456xf32, #tpu.memory_space<hbm>>
        %dma_start3A_51 = tpu.memref_squeeze %dma_start3A_50 : memref<1x8x3456xf32, #tpu.memory_space<hbm>> -> memref<8x3456xf32, #tpu.memory_space<hbm>>
        %dma_start3A_52 = arith.constant 0 : i32
        %dma_start3A_53 = tpu.memref_slice %arg3[%run_scoped3A_44, %dma_start3A_52, %mul3A_39] : memref<3x8x1000000xf32, #tpu.memory_space<hbm>> -> memref<1x8x3456xf32, #tpu.memory_space<hbm>>
        %dma_start3A_54 = tpu.memref_squeeze %dma_start3A_53 : memref<1x8x3456xf32, #tpu.memory_space<hbm>> -> memref<8x3456xf32, #tpu.memory_space<hbm>>
        %dma_start3A_55 = arith.constant 0 : i32
        %dma_start3A_56 = arith.constant 0 : i32
        %dma_start3A_57 = tpu.memref_slice %arg4[%dma_start3A_55, %run_scoped3A_43, %dma_start3A_56] : memref<8x4x3456xf32, #tpu.memory_space<vmem>> -> memref<8x1x3456xf32, #tpu.memory_space<vmem>>
        %dma_start3A_58 = tpu.memref_squeeze %dma_start3A_57 : memref<8x1x3456xf32, #tpu.memory_space<vmem>> -> memref<8x3456xf32, #tpu.memory_space<vmem>>
        tpu.enqueue_dma source(%dma_start3A_58 : memref<8x3456xf32, #tpu.memory_space<vmem>>) target(%dma_start3A_54 : memref<8x3456xf32, #tpu.memory_space<hbm>>) target_semaphore(%run_scoped3A_45 : memref<!tpu.dma_semaphore, #tpu.memory_space<semaphore_mem>>)
        %dma_wait3A = arith.constant 0 : i32
        %dma_wait3A_59 = arith.constant 0 : i32
        %dma_wait3A_60 = tpu.memref_slice %arg4[%dma_wait3A, %run_scoped3A_43, %dma_wait3A_59] : memref<8x4x3456xf32, #tpu.memory_space<vmem>> -> memref<8x1x3456xf32, #tpu.memory_space<vmem>>
        %dma_wait3A_61 = tpu.memref_squeeze %dma_wait3A_60 : memref<8x1x3456xf32, #tpu.memory_space<vmem>> -> memref<8x3456xf32, #tpu.memory_space<vmem>>
        %dma_wait3A_62 = arith.constant 0 : i32
        %dma_wait3A_63 = tpu.memref_slice %arg3[%run_scoped3A_44, %dma_wait3A_62, %mul3A_39] : memref<3x8x1000000xf32, #tpu.memory_space<hbm>> -> memref<1x8x3456xf32, #tpu.memory_space<hbm>>
        %dma_wait3A_64 = tpu.memref_squeeze %dma_wait3A_63 : memref<1x8x3456xf32, #tpu.memory_space<hbm>> -> memref<8x3456xf32, #tpu.memory_space<hbm>>
        %dma_wait3A_65 = arith.constant 0 : i32
        %dma_wait3A_66 = tpu.memref_slice %arg3[%run_scoped3A_44, %dma_wait3A_65, %mul3A_39] : memref<3x8x1000000xf32, #tpu.memory_space<hbm>> -> memref<1x8x3456xf32, #tpu.memory_space<hbm>>
        %dma_wait3A_67 = tpu.memref_squeeze %dma_wait3A_66 : memref<1x8x3456xf32, #tpu.memory_space<hbm>> -> memref<8x3456xf32, #tpu.memory_space<hbm>>
        %dma_wait3A_68 = arith.constant 0 : i32
        %dma_wait3A_69 = arith.constant 0 : i32
        %dma_wait3A_70 = tpu.memref_slice %arg4[%dma_wait3A_68, %run_scoped3A_43, %dma_wait3A_69] : memref<8x4x3456xf32, #tpu.memory_space<vmem>> -> memref<8x1x3456xf32, #tpu.memory_space<vmem>>
        %dma_wait3A_71 = tpu.memref_squeeze %dma_wait3A_70 : memref<8x1x3456xf32, #tpu.memory_space<vmem>> -> memref<8x3456xf32, #tpu.memory_space<vmem>>
        tpu.wait_dma2 semaphore(%run_scoped3A_45 : memref<!tpu.dma_semaphore, #tpu.memory_space<semaphore_mem>>) src(%dma_wait3A_71 : memref<8x3456xf32, #tpu.memory_space<vmem>>) dst(%dma_wait3A_67 : memref<8x3456xf32, #tpu.memory_space<hbm>>)
        tpu.yield
      }) : () -> ()
    }
    %while3A_31 = arith.constant 1 : i32
    scf.for %while3A_34 = %while3A_29 to %while3A_25 step %while3A_31  : i32 {
      %mul3A_35 = arith.constant 32 : i32
      %mul3A_36 = arith.muli %while3A_34, %mul3A_35 : i32
      %add3A_37 = arith.addi %mul3A_36, %add3A : i32
      %mul3A_38 = arith.constant 3456 : i32
      %mul3A_39 = arith.muli %add3A_37, %mul3A_38 : i32
      "tpu.region"() ({
        %run_scoped3A_45 = tpu.sem_alloc : memref<!tpu.dma_semaphore, #tpu.memory_space<semaphore_mem>>
        %dma_start3A = arith.constant 0 : i32
        %dma_start3A_46 = arith.constant 0 : i32
        %dma_start3A_47 = tpu.memref_slice %arg2[%dma_start3A, %dma_start3A_46, %mul3A_39] : memref<8x4x1000000xf32, #tpu.memory_space<hbm>> -> memref<8x4x3456xf32, #tpu.memory_space<hbm>>
        %dma_start3A_48 = arith.constant 0 : i32
        %dma_start3A_49 = arith.constant 0 : i32
        %dma_start3A_50 = tpu.memref_slice %arg2[%dma_start3A_48, %dma_start3A_49, %mul3A_39] : memref<8x4x1000000xf32, #tpu.memory_space<hbm>> -> memref<8x4x3456xf32, #tpu.memory_space<hbm>>
        tpu.enqueue_dma source(%dma_start3A_50 : memref<8x4x3456xf32, #tpu.memory_space<hbm>>) target(%arg4 : memref<8x4x3456xf32, #tpu.memory_space<vmem>>) target_semaphore(%run_scoped3A_45 : memref<!tpu.dma_semaphore, #tpu.memory_space<semaphore_mem>>)
        %dma_wait3A = arith.constant 0 : i32
        %dma_wait3A_51 = arith.constant 0 : i32
        %dma_wait3A_52 = tpu.memref_slice %arg2[%dma_wait3A, %dma_wait3A_51, %mul3A_39] : memref<8x4x1000000xf32, #tpu.memory_space<hbm>> -> memref<8x4x3456xf32, #tpu.memory_space<hbm>>
        %dma_wait3A_53 = arith.constant 0 : i32
        %dma_wait3A_54 = arith.constant 0 : i32
        %dma_wait3A_55 = tpu.memref_slice %arg2[%dma_wait3A_53, %dma_wait3A_54, %mul3A_39] : memref<8x4x1000000xf32, #tpu.memory_space<hbm>> -> memref<8x4x3456xf32, #tpu.memory_space<hbm>>
        tpu.wait_dma2 semaphore(%run_scoped3A_45 : memref<!tpu.dma_semaphore, #tpu.memory_space<semaphore_mem>>) src(%dma_wait3A_55 : memref<8x4x3456xf32, #tpu.memory_space<hbm>>) dst(%arg4 : memref<8x4x3456xf32, #tpu.memory_space<vmem>>)
        tpu.yield
      }) : () -> ()
      %run_scoped3A = arith.constant 3 : i32
      %run_scoped3A_40 = arith.constant 0 : i32
      "tpu.region"() ({
        %run_scoped3A_45 = tpu.sem_alloc : memref<!tpu.dma_semaphore, #tpu.memory_space<semaphore_mem>>
        %dma_start3A = arith.constant 0 : i32
        %dma_start3A_46 = arith.constant 0 : i32
        %dma_start3A_47 = tpu.memref_slice %arg4[%dma_start3A, %run_scoped3A, %dma_start3A_46] : memref<8x4x3456xf32, #tpu.memory_space<vmem>> -> memref<8x1x3456xf32, #tpu.memory_space<vmem>>
        %dma_start3A_48 = tpu.memref_squeeze %dma_start3A_47 : memref<8x1x3456xf32, #tpu.memory_space<vmem>> -> memref<8x3456xf32, #tpu.memory_space<vmem>>
        %dma_start3A_49 = arith.constant 0 : i32
        %dma_start3A_50 = tpu.memref_slice %arg3[%run_scoped3A_40, %dma_start3A_49, %mul3A_39] : memref<3x8x1000000xf32, #tpu.memory_space<hbm>> -> memref<1x8x3456xf32, #tpu.memory_space<hbm>>
        %dma_start3A_51 = tpu.memref_squeeze %dma_start3A_50 : memref<1x8x3456xf32, #tpu.memory_space<hbm>> -> memref<8x3456xf32, #tpu.memory_space<hbm>>
        %dma_start3A_52 = arith.constant 0 : i32
        %dma_start3A_53 = tpu.memref_slice %arg3[%run_scoped3A_40, %dma_start3A_52, %mul3A_39] : memref<3x8x1000000xf32, #tpu.memory_space<hbm>> -> memref<1x8x3456xf32, #tpu.memory_space<hbm>>
        %dma_start3A_54 = tpu.memref_squeeze %dma_start3A_53 : memref<1x8x3456xf32, #tpu.memory_space<hbm>> -> memref<8x3456xf32, #tpu.memory_space<hbm>>
        %dma_start3A_55 = arith.constant 0 : i32
        %dma_start3A_56 = arith.constant 0 : i32
        %dma_start3A_57 = tpu.memref_slice %arg4[%dma_start3A_55, %run_scoped3A, %dma_start3A_56] : memref<8x4x3456xf32, #tpu.memory_space<vmem>> -> memref<8x1x3456xf32, #tpu.memory_space<vmem>>
        %dma_start3A_58 = tpu.memref_squeeze %dma_start3A_57 : memref<8x1x3456xf32, #tpu.memory_space<vmem>> -> memref<8x3456xf32, #tpu.memory_space<vmem>>
        tpu.enqueue_dma source(%dma_start3A_58 : memref<8x3456xf32, #tpu.memory_space<vmem>>) target(%dma_start3A_54 : memref<8x3456xf32, #tpu.memory_space<hbm>>) target_semaphore(%run_scoped3A_45 : memref<!tpu.dma_semaphore, #tpu.memory_space<semaphore_mem>>)
        %dma_wait3A = arith.constant 0 : i32
        %dma_wait3A_59 = arith.constant 0 : i32
        %dma_wait3A_60 = tpu.memref_slice %arg4[%dma_wait3A, %run_scoped3A, %dma_wait3A_59] : memref<8x4x3456xf32, #tpu.memory_space<vmem>> -> memref<8x1x3456xf32, #tpu.memory_space<vmem>>
        %dma_wait3A_61 = tpu.memref_squeeze %dma_wait3A_60 : memref<8x1x3456xf32, #tpu.memory_space<vmem>> -> memref<8x3456xf32, #tpu.memory_space<vmem>>
        %dma_wait3A_62 = arith.constant 0 : i32
        %dma_wait3A_63 = tpu.memref_slice %arg3[%run_scoped3A_40, %dma_wait3A_62, %mul3A_39] : memref<3x8x1000000xf32, #tpu.memory_space<hbm>> -> memref<1x8x3456xf32, #tpu.memory_space<hbm>>
        %dma_wait3A_64 = tpu.memref_squeeze %dma_wait3A_63 : memref<1x8x3456xf32, #tpu.memory_space<hbm>> -> memref<8x3456xf32, #tpu.memory_space<hbm>>
        %dma_wait3A_65 = arith.constant 0 : i32
        %dma_wait3A_66 = tpu.memref_slice %arg3[%run_scoped3A_40, %dma_wait3A_65, %mul3A_39] : memref<3x8x1000000xf32, #tpu.memory_space<hbm>> -> memref<1x8x3456xf32, #tpu.memory_space<hbm>>
        %dma_wait3A_67 = tpu.memref_squeeze %dma_wait3A_66 : memref<1x8x3456xf32, #tpu.memory_space<hbm>> -> memref<8x3456xf32, #tpu.memory_space<hbm>>
        %dma_wait3A_68 = arith.constant 0 : i32
        %dma_wait3A_69 = arith.constant 0 : i32
        %dma_wait3A_70 = tpu.memref_slice %arg4[%dma_wait3A_68, %run_scoped3A, %dma_wait3A_69] : memref<8x4x3456xf32, #tpu.memory_space<vmem>> -> memref<8x1x3456xf32, #tpu.memory_space<vmem>>
        %dma_wait3A_71 = tpu.memref_squeeze %dma_wait3A_70 : memref<8x1x3456xf32, #tpu.memory_space<vmem>> -> memref<8x3456xf32, #tpu.memory_space<vmem>>
        tpu.wait_dma2 semaphore(%run_scoped3A_45 : memref<!tpu.dma_semaphore, #tpu.memory_space<semaphore_mem>>) src(%dma_wait3A_71 : memref<8x3456xf32, #tpu.memory_space<vmem>>) dst(%dma_wait3A_67 : memref<8x3456xf32, #tpu.memory_space<hbm>>)
        tpu.yield
      }) : () -> ()
      %run_scoped3A_41 = arith.constant 1 : i32
      %run_scoped3A_42 = arith.constant 1 : i32
      "tpu.region"() ({
        %run_scoped3A_45 = tpu.sem_alloc : memref<!tpu.dma_semaphore, #tpu.memory_space<semaphore_mem>>
        %dma_start3A = arith.constant 0 : i32
        %dma_start3A_46 = arith.constant 0 : i32
        %dma_start3A_47 = tpu.memref_slice %arg4[%dma_start3A, %run_scoped3A_41, %dma_start3A_46] : memref<8x4x3456xf32, #tpu.memory_space<vmem>> -> memref<8x1x3456xf32, #tpu.memory_space<vmem>>
        %dma_start3A_48 = tpu.memref_squeeze %dma_start3A_47 : memref<8x1x3456xf32, #tpu.memory_space<vmem>> -> memref<8x3456xf32, #tpu.memory_space<vmem>>
        %dma_start3A_49 = arith.constant 0 : i32
        %dma_start3A_50 = tpu.memref_slice %arg3[%run_scoped3A_42, %dma_start3A_49, %mul3A_39] : memref<3x8x1000000xf32, #tpu.memory_space<hbm>> -> memref<1x8x3456xf32, #tpu.memory_space<hbm>>
        %dma_start3A_51 = tpu.memref_squeeze %dma_start3A_50 : memref<1x8x3456xf32, #tpu.memory_space<hbm>> -> memref<8x3456xf32, #tpu.memory_space<hbm>>
        %dma_start3A_52 = arith.constant 0 : i32
        %dma_start3A_53 = tpu.memref_slice %arg3[%run_scoped3A_42, %dma_start3A_52, %mul3A_39] : memref<3x8x1000000xf32, #tpu.memory_space<hbm>> -> memref<1x8x3456xf32, #tpu.memory_space<hbm>>
        %dma_start3A_54 = tpu.memref_squeeze %dma_start3A_53 : memref<1x8x3456xf32, #tpu.memory_space<hbm>> -> memref<8x3456xf32, #tpu.memory_space<hbm>>
        %dma_start3A_55 = arith.constant 0 : i32
        %dma_start3A_56 = arith.constant 0 : i32
        %dma_start3A_57 = tpu.memref_slice %arg4[%dma_start3A_55, %run_scoped3A_41, %dma_start3A_56] : memref<8x4x3456xf32, #tpu.memory_space<vmem>> -> memref<8x1x3456xf32, #tpu.memory_space<vmem>>
        %dma_start3A_58 = tpu.memref_squeeze %dma_start3A_57 : memref<8x1x3456xf32, #tpu.memory_space<vmem>> -> memref<8x3456xf32, #tpu.memory_space<vmem>>
        tpu.enqueue_dma source(%dma_start3A_58 : memref<8x3456xf32, #tpu.memory_space<vmem>>) target(%dma_start3A_54 : memref<8x3456xf32, #tpu.memory_space<hbm>>) target_semaphore(%run_scoped3A_45 : memref<!tpu.dma_semaphore, #tpu.memory_space<semaphore_mem>>)
        %dma_wait3A = arith.constant 0 : i32
        %dma_wait3A_59 = arith.constant 0 : i32
        %dma_wait3A_60 = tpu.memref_slice %arg4[%dma_wait3A, %run_scoped3A_41, %dma_wait3A_59] : memref<8x4x3456xf32, #tpu.memory_space<vmem>> -> memref<8x1x3456xf32, #tpu.memory_space<vmem>>
        %dma_wait3A_61 = tpu.memref_squeeze %dma_wait3A_60 : memref<8x1x3456xf32, #tpu.memory_space<vmem>> -> memref<8x3456xf32, #tpu.memory_space<vmem>>
        %dma_wait3A_62 = arith.constant 0 : i32
        %dma_wait3A_63 = tpu.memref_slice %arg3[%run_scoped3A_42, %dma_wait3A_62, %mul3A_39] : memref<3x8x1000000xf32, #tpu.memory_space<hbm>> -> memref<1x8x3456xf32, #tpu.memory_space<hbm>>
        %dma_wait3A_64 = tpu.memref_squeeze %dma_wait3A_63 : memref<1x8x3456xf32, #tpu.memory_space<hbm>> -> memref<8x3456xf32, #tpu.memory_space<hbm>>
        %dma_wait3A_65 = arith.constant 0 : i32
        %dma_wait3A_66 = tpu.memref_slice %arg3[%run_scoped3A_42, %dma_wait3A_65, %mul3A_39] : memref<3x8x1000000xf32, #tpu.memory_space<hbm>> -> memref<1x8x3456xf32, #tpu.memory_space<hbm>>
        %dma_wait3A_67 = tpu.memref_squeeze %dma_wait3A_66 : memref<1x8x3456xf32, #tpu.memory_space<hbm>> -> memref<8x3456xf32, #tpu.memory_space<hbm>>
        %dma_wait3A_68 = arith.constant 0 : i32
        %dma_wait3A_69 = arith.constant 0 : i32
        %dma_wait3A_70 = tpu.memref_slice %arg4[%dma_wait3A_68, %run_scoped3A_41, %dma_wait3A_69] : memref<8x4x3456xf32, #tpu.memory_space<vmem>> -> memref<8x1x3456xf32, #tpu.memory_space<vmem>>
        %dma_wait3A_71 = tpu.memref_squeeze %dma_wait3A_70 : memref<8x1x3456xf32, #tpu.memory_space<vmem>> -> memref<8x3456xf32, #tpu.memory_space<vmem>>
        tpu.wait_dma2 semaphore(%run_scoped3A_45 : memref<!tpu.dma_semaphore, #tpu.memory_space<semaphore_mem>>) src(%dma_wait3A_71 : memref<8x3456xf32, #tpu.memory_space<vmem>>) dst(%dma_wait3A_67 : memref<8x3456xf32, #tpu.memory_space<hbm>>)
        tpu.yield
      }) : () -> ()
      %run_scoped3A_43 = arith.constant 2 : i32
      %run_scoped3A_44 = arith.constant 2 : i32
      "tpu.region"() ({
        %run_scoped3A_45 = tpu.sem_alloc : memref<!tpu.dma_semaphore, #tpu.memory_space<semaphore_mem>>
        %dma_start3A = arith.constant 0 : i32
        %dma_start3A_46 = arith.constant 0 : i32
        %dma_start3A_47 = tpu.memref_slice %arg4[%dma_start3A, %run_scoped3A_43, %dma_start3A_46] : memref<8x4x3456xf32, #tpu.memory_space<vmem>> -> memref<8x1x3456xf32, #tpu.memory_space<vmem>>
        %dma_start3A_48 = tpu.memref_squeeze %dma_start3A_47 : memref<8x1x3456xf32, #tpu.memory_space<vmem>> -> memref<8x3456xf32, #tpu.memory_space<vmem>>
        %dma_start3A_49 = arith.constant 0 : i32
        %dma_start3A_50 = tpu.memref_slice %arg3[%run_scoped3A_44, %dma_start3A_49, %mul3A_39] : memref<3x8x1000000xf32, #tpu.memory_space<hbm>> -> memref<1x8x3456xf32, #tpu.memory_space<hbm>>
        %dma_start3A_51 = tpu.memref_squeeze %dma_start3A_50 : memref<1x8x3456xf32, #tpu.memory_space<hbm>> -> memref<8x3456xf32, #tpu.memory_space<hbm>>
        %dma_start3A_52 = arith.constant 0 : i32
        %dma_start3A_53 = tpu.memref_slice %arg3[%run_scoped3A_44, %dma_start3A_52, %mul3A_39] : memref<3x8x1000000xf32, #tpu.memory_space<hbm>> -> memref<1x8x3456xf32, #tpu.memory_space<hbm>>
        %dma_start3A_54 = tpu.memref_squeeze %dma_start3A_53 : memref<1x8x3456xf32, #tpu.memory_space<hbm>> -> memref<8x3456xf32, #tpu.memory_space<hbm>>
        %dma_start3A_55 = arith.constant 0 : i32
        %dma_start3A_56 = arith.constant 0 : i32
        %dma_start3A_57 = tpu.memref_slice %arg4[%dma_start3A_55, %run_scoped3A_43, %dma_start3A_56] : memref<8x4x3456xf32, #tpu.memory_space<vmem>> -> memref<8x1x3456xf32, #tpu.memory_space<vmem>>
        %dma_start3A_58 = tpu.memref_squeeze %dma_start3A_57 : memref<8x1x3456xf32, #tpu.memory_space<vmem>> -> memref<8x3456xf32, #tpu.memory_space<vmem>>
        tpu.enqueue_dma source(%dma_start3A_58 : memref<8x3456xf32, #tpu.memory_space<vmem>>) target(%dma_start3A_54 : memref<8x3456xf32, #tpu.memory_space<hbm>>) target_semaphore(%run_scoped3A_45 : memref<!tpu.dma_semaphore, #tpu.memory_space<semaphore_mem>>)
        %dma_wait3A = arith.constant 0 : i32
        %dma_wait3A_59 = arith.constant 0 : i32
        %dma_wait3A_60 = tpu.memref_slice %arg4[%dma_wait3A, %run_scoped3A_43, %dma_wait3A_59] : memref<8x4x3456xf32, #tpu.memory_space<vmem>> -> memref<8x1x3456xf32, #tpu.memory_space<vmem>>
        %dma_wait3A_61 = tpu.memref_squeeze %dma_wait3A_60 : memref<8x1x3456xf32, #tpu.memory_space<vmem>> -> memref<8x3456xf32, #tpu.memory_space<vmem>>
        %dma_wait3A_62 = arith.constant 0 : i32
        %dma_wait3A_63 = tpu.memref_slice %arg3[%run_scoped3A_44, %dma_wait3A_62, %mul3A_39] : memref<3x8x1000000xf32, #tpu.memory_space<hbm>> -> memref<1x8x3456xf32, #tpu.memory_space<hbm>>
        %dma_wait3A_64 = tpu.memref_squeeze %dma_wait3A_63 : memref<1x8x3456xf32, #tpu.memory_space<hbm>> -> memref<8x3456xf32, #tpu.memory_space<hbm>>
        %dma_wait3A_65 = arith.constant 0 : i32
        %dma_wait3A_66 = tpu.memref_slice %arg3[%run_scoped3A_44, %dma_wait3A_65, %mul3A_39] : memref<3x8x1000000xf32, #tpu.memory_space<hbm>> -> memref<1x8x3456xf32, #tpu.memory_space<hbm>>
        %dma_wait3A_67 = tpu.memref_squeeze %dma_wait3A_66 : memref<1x8x3456xf32, #tpu.memory_space<hbm>> -> memref<8x3456xf32, #tpu.memory_space<hbm>>
        %dma_wait3A_68 = arith.constant 0 : i32
        %dma_wait3A_69 = arith.constant 0 : i32
        %dma_wait3A_70 = tpu.memref_slice %arg4[%dma_wait3A_68, %run_scoped3A_43, %dma_wait3A_69] : memref<8x4x3456xf32, #tpu.memory_space<vmem>> -> memref<8x1x3456xf32, #tpu.memory_space<vmem>>
        %dma_wait3A_71 = tpu.memref_squeeze %dma_wait3A_70 : memref<8x1x3456xf32, #tpu.memory_space<vmem>> -> memref<8x3456xf32, #tpu.memory_space<vmem>>
        tpu.wait_dma2 semaphore(%run_scoped3A_45 : memref<!tpu.dma_semaphore, #tpu.memory_space<semaphore_mem>>) src(%dma_wait3A_71 : memref<8x3456xf32, #tpu.memory_space<vmem>>) dst(%dma_wait3A_67 : memref<8x3456xf32, #tpu.memory_space<hbm>>)
        tpu.yield
      }) : () -> ()
    }
    %eq3A = arith.constant 31 : i32
    %eq3A_32 = arith.cmpi eq, %add3A, %eq3A : i32
    %convert_element_type3A = arith.extui %eq3A_32 : i1 to i32
    %cond3A = arith.constant 0 : i32
    %cond3A_33 = arith.cmpi ne, %convert_element_type3A, %cond3A : i32
    scf.if %cond3A_33 {
      "tpu.region"() ({
        %run_scoped3A_45 = tpu.sem_alloc : memref<!tpu.dma_semaphore, #tpu.memory_space<semaphore_mem>>
        %dma_start3A = arith.constant 0 : i32
        %dma_start3A_46 = arith.constant 0 : i32
        %dma_start3A_47 = arith.constant 0 : i32
        %dma_start3A_48 = tpu.memref_slice %arg4[%dma_start3A, %dma_start3A_46, %dma_start3A_47] : memref<8x4x3456xf32, #tpu.memory_space<vmem>> -> memref<8x4x1152xf32, #tpu.memory_space<vmem>>
        %dma_start3A_49 = arith.constant 0 : i32
        %dma_start3A_50 = arith.constant 0 : i32
        %dma_start3A_51 = arith.constant 998784 : i32
        %dma_start3A_52 = tpu.memref_slice %arg2[%dma_start3A_49, %dma_start3A_50, %dma_start3A_51] : memref<8x4x1000000xf32, #tpu.memory_space<hbm>> -> memref<8x4x1152xf32, #tpu.memory_space<hbm>>
        %dma_start3A_53 = arith.constant 0 : i32
        %dma_start3A_54 = arith.constant 0 : i32
        %dma_start3A_55 = arith.constant 0 : i32
        %dma_start3A_56 = tpu.memref_slice %arg4[%dma_start3A_53, %dma_start3A_54, %dma_start3A_55] : memref<8x4x3456xf32, #tpu.memory_space<vmem>> -> memref<8x4x1152xf32, #tpu.memory_space<vmem>>
        %dma_start3A_57 = arith.constant 0 : i32
        %dma_start3A_58 = arith.constant 0 : i32
        %dma_start3A_59 = arith.constant 998784 : i32
        %dma_start3A_60 = tpu.memref_slice %arg2[%dma_start3A_57, %dma_start3A_58, %dma_start3A_59] : memref<8x4x1000000xf32, #tpu.memory_space<hbm>> -> memref<8x4x1152xf32, #tpu.memory_space<hbm>>
        tpu.enqueue_dma source(%dma_start3A_60 : memref<8x4x1152xf32, #tpu.memory_space<hbm>>) target(%dma_start3A_56 : memref<8x4x1152xf32, #tpu.memory_space<vmem>>) target_semaphore(%run_scoped3A_45 : memref<!tpu.dma_semaphore, #tpu.memory_space<semaphore_mem>>)
        %dma_wait3A = arith.constant 0 : i32
        %dma_wait3A_61 = arith.constant 0 : i32
        %dma_wait3A_62 = arith.constant 0 : i32
        %dma_wait3A_63 = tpu.memref_slice %arg4[%dma_wait3A, %dma_wait3A_61, %dma_wait3A_62] : memref<8x4x3456xf32, #tpu.memory_space<vmem>> -> memref<8x4x1152xf32, #tpu.memory_space<vmem>>
        %dma_wait3A_64 = arith.constant 0 : i32
        %dma_wait3A_65 = arith.constant 0 : i32
        %dma_wait3A_66 = arith.constant 998784 : i32
        %dma_wait3A_67 = tpu.memref_slice %arg2[%dma_wait3A_64, %dma_wait3A_65, %dma_wait3A_66] : memref<8x4x1000000xf32, #tpu.memory_space<hbm>> -> memref<8x4x1152xf32, #tpu.memory_space<hbm>>
        %dma_wait3A_68 = arith.constant 0 : i32
        %dma_wait3A_69 = arith.constant 0 : i32
        %dma_wait3A_70 = arith.constant 0 : i32
        %dma_wait3A_71 = tpu.memref_slice %arg4[%dma_wait3A_68, %dma_wait3A_69, %dma_wait3A_70] : memref<8x4x3456xf32, #tpu.memory_space<vmem>> -> memref<8x4x1152xf32, #tpu.memory_space<vmem>>
        %dma_wait3A_72 = arith.constant 0 : i32
        %dma_wait3A_73 = arith.constant 0 : i32
        %dma_wait3A_74 = arith.constant 998784 : i32
        %dma_wait3A_75 = tpu.memref_slice %arg2[%dma_wait3A_72, %dma_wait3A_73, %dma_wait3A_74] : memref<8x4x1000000xf32, #tpu.memory_space<hbm>> -> memref<8x4x1152xf32, #tpu.memory_space<hbm>>
        tpu.wait_dma2 semaphore(%run_scoped3A_45 : memref<!tpu.dma_semaphore, #tpu.memory_space<semaphore_mem>>) src(%dma_wait3A_75 : memref<8x4x1152xf32, #tpu.memory_space<hbm>>) dst(%dma_wait3A_71 : memref<8x4x1152xf32, #tpu.memory_space<vmem>>)
        tpu.yield
      }) : () -> ()
      %run_scoped3A = arith.constant 3 : i32
      %run_scoped3A_34 = arith.constant 0 : i32
      "tpu.region"() ({
        %run_scoped3A_45 = tpu.sem_alloc : memref<!tpu.dma_semaphore, #tpu.memory_space<semaphore_mem>>
        %dma_start3A = arith.constant 0 : i32
        %dma_start3A_46 = arith.constant 0 : i32
        %dma_start3A_47 = tpu.memref_slice %arg4[%dma_start3A, %run_scoped3A, %dma_start3A_46] : memref<8x4x3456xf32, #tpu.memory_space<vmem>> -> memref<8x1x1152xf32, #tpu.memory_space<vmem>>
        %dma_start3A_48 = tpu.memref_squeeze %dma_start3A_47 : memref<8x1x1152xf32, #tpu.memory_space<vmem>> -> memref<8x1152xf32, #tpu.memory_space<vmem>>
        %dma_start3A_49 = arith.constant 0 : i32
        %dma_start3A_50 = arith.constant 998784 : i32
        %dma_start3A_51 = tpu.memref_slice %arg3[%run_scoped3A_34, %dma_start3A_49, %dma_start3A_50] : memref<3x8x1000000xf32, #tpu.memory_space<hbm>> -> memref<1x8x1152xf32, #tpu.memory_space<hbm>>
        %dma_start3A_52 = tpu.memref_squeeze %dma_start3A_51 : memref<1x8x1152xf32, #tpu.memory_space<hbm>> -> memref<8x1152xf32, #tpu.memory_space<hbm>>
        %dma_start3A_53 = arith.constant 0 : i32
        %dma_start3A_54 = arith.constant 998784 : i32
        %dma_start3A_55 = tpu.memref_slice %arg3[%run_scoped3A_34, %dma_start3A_53, %dma_start3A_54] : memref<3x8x1000000xf32, #tpu.memory_space<hbm>> -> memref<1x8x1152xf32, #tpu.memory_space<hbm>>
        %dma_start3A_56 = tpu.memref_squeeze %dma_start3A_55 : memref<1x8x1152xf32, #tpu.memory_space<hbm>> -> memref<8x1152xf32, #tpu.memory_space<hbm>>
        %dma_start3A_57 = arith.constant 0 : i32
        %dma_start3A_58 = arith.constant 0 : i32
        %dma_start3A_59 = tpu.memref_slice %arg4[%dma_start3A_57, %run_scoped3A, %dma_start3A_58] : memref<8x4x3456xf32, #tpu.memory_space<vmem>> -> memref<8x1x1152xf32, #tpu.memory_space<vmem>>
        %dma_start3A_60 = tpu.memref_squeeze %dma_start3A_59 : memref<8x1x1152xf32, #tpu.memory_space<vmem>> -> memref<8x1152xf32, #tpu.memory_space<vmem>>
        tpu.enqueue_dma source(%dma_start3A_60 : memref<8x1152xf32, #tpu.memory_space<vmem>>) target(%dma_start3A_56 : memref<8x1152xf32, #tpu.memory_space<hbm>>) target_semaphore(%run_scoped3A_45 : memref<!tpu.dma_semaphore, #tpu.memory_space<semaphore_mem>>)
        %dma_wait3A = arith.constant 0 : i32
        %dma_wait3A_61 = arith.constant 0 : i32
        %dma_wait3A_62 = tpu.memref_slice %arg4[%dma_wait3A, %run_scoped3A, %dma_wait3A_61] : memref<8x4x3456xf32, #tpu.memory_space<vmem>> -> memref<8x1x1152xf32, #tpu.memory_space<vmem>>
        %dma_wait3A_63 = tpu.memref_squeeze %dma_wait3A_62 : memref<8x1x1152xf32, #tpu.memory_space<vmem>> -> memref<8x1152xf32, #tpu.memory_space<vmem>>
        %dma_wait3A_64 = arith.constant 0 : i32
        %dma_wait3A_65 = arith.constant 998784 : i32
        %dma_wait3A_66 = tpu.memref_slice %arg3[%run_scoped3A_34, %dma_wait3A_64, %dma_wait3A_65] : memref<3x8x1000000xf32, #tpu.memory_space<hbm>> -> memref<1x8x1152xf32, #tpu.memory_space<hbm>>
        %dma_wait3A_67 = tpu.memref_squeeze %dma_wait3A_66 : memref<1x8x1152xf32, #tpu.memory_space<hbm>> -> memref<8x1152xf32, #tpu.memory_space<hbm>>
        %dma_wait3A_68 = arith.constant 0 : i32
        %dma_wait3A_69 = arith.constant 998784 : i32
        %dma_wait3A_70 = tpu.memref_slice %arg3[%run_scoped3A_34, %dma_wait3A_68, %dma_wait3A_69] : memref<3x8x1000000xf32, #tpu.memory_space<hbm>> -> memref<1x8x1152xf32, #tpu.memory_space<hbm>>
        %dma_wait3A_71 = tpu.memref_squeeze %dma_wait3A_70 : memref<1x8x1152xf32, #tpu.memory_space<hbm>> -> memref<8x1152xf32, #tpu.memory_space<hbm>>
        %dma_wait3A_72 = arith.constant 0 : i32
        %dma_wait3A_73 = arith.constant 0 : i32
        %dma_wait3A_74 = tpu.memref_slice %arg4[%dma_wait3A_72, %run_scoped3A, %dma_wait3A_73] : memref<8x4x3456xf32, #tpu.memory_space<vmem>> -> memref<8x1x1152xf32, #tpu.memory_space<vmem>>
        %dma_wait3A_75 = tpu.memref_squeeze %dma_wait3A_74 : memref<8x1x1152xf32, #tpu.memory_space<vmem>> -> memref<8x1152xf32, #tpu.memory_space<vmem>>
        tpu.wait_dma2 semaphore(%run_scoped3A_45 : memref<!tpu.dma_semaphore, #tpu.memory_space<semaphore_mem>>) src(%dma_wait3A_75 : memref<8x1152xf32, #tpu.memory_space<vmem>>) dst(%dma_wait3A_71 : memref<8x1152xf32, #tpu.memory_space<hbm>>)
        tpu.yield
      }) : () -> ()
      %run_scoped3A_35 = arith.constant 1 : i32
      %run_scoped3A_36 = arith.constant 1 : i32
      "tpu.region"() ({
        %run_scoped3A_45 = tpu.sem_alloc : memref<!tpu.dma_semaphore, #tpu.memory_space<semaphore_mem>>
        %dma_start3A = arith.constant 0 : i32
        %dma_start3A_46 = arith.constant 0 : i32
        %dma_start3A_47 = tpu.memref_slice %arg4[%dma_start3A, %run_scoped3A_35, %dma_start3A_46] : memref<8x4x3456xf32, #tpu.memory_space<vmem>> -> memref<8x1x1152xf32, #tpu.memory_space<vmem>>
        %dma_start3A_48 = tpu.memref_squeeze %dma_start3A_47 : memref<8x1x1152xf32, #tpu.memory_space<vmem>> -> memref<8x1152xf32, #tpu.memory_space<vmem>>
        %dma_start3A_49 = arith.constant 0 : i32
        %dma_start3A_50 = arith.constant 998784 : i32
        %dma_start3A_51 = tpu.memref_slice %arg3[%run_scoped3A_36, %dma_start3A_49, %dma_start3A_50] : memref<3x8x1000000xf32, #tpu.memory_space<hbm>> -> memref<1x8x1152xf32, #tpu.memory_space<hbm>>
        %dma_start3A_52 = tpu.memref_squeeze %dma_start3A_51 : memref<1x8x1152xf32, #tpu.memory_space<hbm>> -> memref<8x1152xf32, #tpu.memory_space<hbm>>
        %dma_start3A_53 = arith.constant 0 : i32
        %dma_start3A_54 = arith.constant 998784 : i32
        %dma_start3A_55 = tpu.memref_slice %arg3[%run_scoped3A_36, %dma_start3A_53, %dma_start3A_54] : memref<3x8x1000000xf32, #tpu.memory_space<hbm>> -> memref<1x8x1152xf32, #tpu.memory_space<hbm>>
        %dma_start3A_56 = tpu.memref_squeeze %dma_start3A_55 : memref<1x8x1152xf32, #tpu.memory_space<hbm>> -> memref<8x1152xf32, #tpu.memory_space<hbm>>
        %dma_start3A_57 = arith.constant 0 : i32
        %dma_start3A_58 = arith.constant 0 : i32
        %dma_start3A_59 = tpu.memref_slice %arg4[%dma_start3A_57, %run_scoped3A_35, %dma_start3A_58] : memref<8x4x3456xf32, #tpu.memory_space<vmem>> -> memref<8x1x1152xf32, #tpu.memory_space<vmem>>
        %dma_start3A_60 = tpu.memref_squeeze %dma_start3A_59 : memref<8x1x1152xf32, #tpu.memory_space<vmem>> -> memref<8x1152xf32, #tpu.memory_space<vmem>>
        tpu.enqueue_dma source(%dma_start3A_60 : memref<8x1152xf32, #tpu.memory_space<vmem>>) target(%dma_start3A_56 : memref<8x1152xf32, #tpu.memory_space<hbm>>) target_semaphore(%run_scoped3A_45 : memref<!tpu.dma_semaphore, #tpu.memory_space<semaphore_mem>>)
        %dma_wait3A = arith.constant 0 : i32
        %dma_wait3A_61 = arith.constant 0 : i32
        %dma_wait3A_62 = tpu.memref_slice %arg4[%dma_wait3A, %run_scoped3A_35, %dma_wait3A_61] : memref<8x4x3456xf32, #tpu.memory_space<vmem>> -> memref<8x1x1152xf32, #tpu.memory_space<vmem>>
        %dma_wait3A_63 = tpu.memref_squeeze %dma_wait3A_62 : memref<8x1x1152xf32, #tpu.memory_space<vmem>> -> memref<8x1152xf32, #tpu.memory_space<vmem>>
        %dma_wait3A_64 = arith.constant 0 : i32
        %dma_wait3A_65 = arith.constant 998784 : i32
        %dma_wait3A_66 = tpu.memref_slice %arg3[%run_scoped3A_36, %dma_wait3A_64, %dma_wait3A_65] : memref<3x8x1000000xf32, #tpu.memory_space<hbm>> -> memref<1x8x1152xf32, #tpu.memory_space<hbm>>
        %dma_wait3A_67 = tpu.memref_squeeze %dma_wait3A_66 : memref<1x8x1152xf32, #tpu.memory_space<hbm>> -> memref<8x1152xf32, #tpu.memory_space<hbm>>
        %dma_wait3A_68 = arith.constant 0 : i32
        %dma_wait3A_69 = arith.constant 998784 : i32
        %dma_wait3A_70 = tpu.memref_slice %arg3[%run_scoped3A_36, %dma_wait3A_68, %dma_wait3A_69] : memref<3x8x1000000xf32, #tpu.memory_space<hbm>> -> memref<1x8x1152xf32, #tpu.memory_space<hbm>>
        %dma_wait3A_71 = tpu.memref_squeeze %dma_wait3A_70 : memref<1x8x1152xf32, #tpu.memory_space<hbm>> -> memref<8x1152xf32, #tpu.memory_space<hbm>>
        %dma_wait3A_72 = arith.constant 0 : i32
        %dma_wait3A_73 = arith.constant 0 : i32
        %dma_wait3A_74 = tpu.memref_slice %arg4[%dma_wait3A_72, %run_scoped3A_35, %dma_wait3A_73] : memref<8x4x3456xf32, #tpu.memory_space<vmem>> -> memref<8x1x1152xf32, #tpu.memory_space<vmem>>
        %dma_wait3A_75 = tpu.memref_squeeze %dma_wait3A_74 : memref<8x1x1152xf32, #tpu.memory_space<vmem>> -> memref<8x1152xf32, #tpu.memory_space<vmem>>
        tpu.wait_dma2 semaphore(%run_scoped3A_45 : memref<!tpu.dma_semaphore, #tpu.memory_space<semaphore_mem>>) src(%dma_wait3A_75 : memref<8x1152xf32, #tpu.memory_space<vmem>>) dst(%dma_wait3A_71 : memref<8x1152xf32, #tpu.memory_space<hbm>>)
        tpu.yield
      }) : () -> ()
      %run_scoped3A_37 = arith.constant 2 : i32
      %run_scoped3A_38 = arith.constant 2 : i32
      "tpu.region"() ({
        %run_scoped3A_45 = tpu.sem_alloc : memref<!tpu.dma_semaphore, #tpu.memory_space<semaphore_mem>>
        %dma_start3A = arith.constant 0 : i32
        %dma_start3A_46 = arith.constant 0 : i32
        %dma_start3A_47 = tpu.memref_slice %arg4[%dma_start3A, %run_scoped3A_37, %dma_start3A_46] : memref<8x4x3456xf32, #tpu.memory_space<vmem>> -> memref<8x1x1152xf32, #tpu.memory_space<vmem>>
        %dma_start3A_48 = tpu.memref_squeeze %dma_start3A_47 : memref<8x1x1152xf32, #tpu.memory_space<vmem>> -> memref<8x1152xf32, #tpu.memory_space<vmem>>
        %dma_start3A_49 = arith.constant 0 : i32
        %dma_start3A_50 = arith.constant 998784 : i32
        %dma_start3A_51 = tpu.memref_slice %arg3[%run_scoped3A_38, %dma_start3A_49, %dma_start3A_50] : memref<3x8x1000000xf32, #tpu.memory_space<hbm>> -> memref<1x8x1152xf32, #tpu.memory_space<hbm>>
        %dma_start3A_52 = tpu.memref_squeeze %dma_start3A_51 : memref<1x8x1152xf32, #tpu.memory_space<hbm>> -> memref<8x1152xf32, #tpu.memory_space<hbm>>
        %dma_start3A_53 = arith.constant 0 : i32
        %dma_start3A_54 = arith.constant 998784 : i32
        %dma_start3A_55 = tpu.memref_slice %arg3[%run_scoped3A_38, %dma_start3A_53, %dma_start3A_54] : memref<3x8x1000000xf32, #tpu.memory_space<hbm>> -> memref<1x8x1152xf32, #tpu.memory_space<hbm>>
        %dma_start3A_56 = tpu.memref_squeeze %dma_start3A_55 : memref<1x8x1152xf32, #tpu.memory_space<hbm>> -> memref<8x1152xf32, #tpu.memory_space<hbm>>
        %dma_start3A_57 = arith.constant 0 : i32
        %dma_start3A_58 = arith.constant 0 : i32
        %dma_start3A_59 = tpu.memref_slice %arg4[%dma_start3A_57, %run_scoped3A_37, %dma_start3A_58] : memref<8x4x3456xf32, #tpu.memory_space<vmem>> -> memref<8x1x1152xf32, #tpu.memory_space<vmem>>
        %dma_start3A_60 = tpu.memref_squeeze %dma_start3A_59 : memref<8x1x1152xf32, #tpu.memory_space<vmem>> -> memref<8x1152xf32, #tpu.memory_space<vmem>>
        tpu.enqueue_dma source(%dma_start3A_60 : memref<8x1152xf32, #tpu.memory_space<vmem>>) target(%dma_start3A_56 : memref<8x1152xf32, #tpu.memory_space<hbm>>) target_semaphore(%run_scoped3A_45 : memref<!tpu.dma_semaphore, #tpu.memory_space<semaphore_mem>>)
        %dma_wait3A = arith.constant 0 : i32
        %dma_wait3A_61 = arith.constant 0 : i32
        %dma_wait3A_62 = tpu.memref_slice %arg4[%dma_wait3A, %run_scoped3A_37, %dma_wait3A_61] : memref<8x4x3456xf32, #tpu.memory_space<vmem>> -> memref<8x1x1152xf32, #tpu.memory_space<vmem>>
        %dma_wait3A_63 = tpu.memref_squeeze %dma_wait3A_62 : memref<8x1x1152xf32, #tpu.memory_space<vmem>> -> memref<8x1152xf32, #tpu.memory_space<vmem>>
        %dma_wait3A_64 = arith.constant 0 : i32
        %dma_wait3A_65 = arith.constant 998784 : i32
        %dma_wait3A_66 = tpu.memref_slice %arg3[%run_scoped3A_38, %dma_wait3A_64, %dma_wait3A_65] : memref<3x8x1000000xf32, #tpu.memory_space<hbm>> -> memref<1x8x1152xf32, #tpu.memory_space<hbm>>
        %dma_wait3A_67 = tpu.memref_squeeze %dma_wait3A_66 : memref<1x8x1152xf32, #tpu.memory_space<hbm>> -> memref<8x1152xf32, #tpu.memory_space<hbm>>
        %dma_wait3A_68 = arith.constant 0 : i32
        %dma_wait3A_69 = arith.constant 998784 : i32
        %dma_wait3A_70 = tpu.memref_slice %arg3[%run_scoped3A_38, %dma_wait3A_68, %dma_wait3A_69] : memref<3x8x1000000xf32, #tpu.memory_space<hbm>> -> memref<1x8x1152xf32, #tpu.memory_space<hbm>>
        %dma_wait3A_71 = tpu.memref_squeeze %dma_wait3A_70 : memref<1x8x1152xf32, #tpu.memory_space<hbm>> -> memref<8x1152xf32, #tpu.memory_space<hbm>>
        %dma_wait3A_72 = arith.constant 0 : i32
        %dma_wait3A_73 = arith.constant 0 : i32
        %dma_wait3A_74 = tpu.memref_slice %arg4[%dma_wait3A_72, %run_scoped3A_37, %dma_wait3A_73] : memref<8x4x3456xf32, #tpu.memory_space<vmem>> -> memref<8x1x1152xf32, #tpu.memory_space<vmem>>
        %dma_wait3A_75 = tpu.memref_squeeze %dma_wait3A_74 : memref<8x1x1152xf32, #tpu.memory_space<vmem>> -> memref<8x1152xf32, #tpu.memory_space<vmem>>
        tpu.wait_dma2 semaphore(%run_scoped3A_45 : memref<!tpu.dma_semaphore, #tpu.memory_space<semaphore_mem>>) src(%dma_wait3A_75 : memref<8x1152xf32, #tpu.memory_space<vmem>>) dst(%dma_wait3A_71 : memref<8x1152xf32, #tpu.memory_space<hbm>>)
        tpu.yield
      }) : () -> ()
      "tpu.region"() ({
        %run_scoped3A_45 = tpu.sem_alloc : memref<!tpu.dma_semaphore, #tpu.memory_space<semaphore_mem>>
        %dma_start3A = arith.constant 0 : i32
        %dma_start3A_46 = arith.constant 0 : i32
        %dma_start3A_47 = arith.constant 999936 : i32
        %dma_start3A_48 = tpu.memref_slice %arg2[%dma_start3A, %dma_start3A_46, %dma_start3A_47] : memref<8x4x1000000xf32, #tpu.memory_space<hbm>> -> memref<8x4x64xf32, #tpu.memory_space<hbm>>
        %dma_start3A_49 = arith.constant 0 : i32
        %dma_start3A_50 = arith.constant 0 : i32
        %dma_start3A_51 = arith.constant 999936 : i32
        %dma_start3A_52 = tpu.memref_slice %arg2[%dma_start3A_49, %dma_start3A_50, %dma_start3A_51] : memref<8x4x1000000xf32, #tpu.memory_space<hbm>> -> memref<8x4x64xf32, #tpu.memory_space<hbm>>
        tpu.enqueue_dma source(%dma_start3A_52 : memref<8x4x64xf32, #tpu.memory_space<hbm>>) target(%arg5 : memref<8x4x64xf32, #tpu.memory_space<vmem>>) target_semaphore(%run_scoped3A_45 : memref<!tpu.dma_semaphore, #tpu.memory_space<semaphore_mem>>)
        %dma_wait3A = arith.constant 0 : i32
        %dma_wait3A_53 = arith.constant 0 : i32
        %dma_wait3A_54 = arith.constant 999936 : i32
        %dma_wait3A_55 = tpu.memref_slice %arg2[%dma_wait3A, %dma_wait3A_53, %dma_wait3A_54] : memref<8x4x1000000xf32, #tpu.memory_space<hbm>> -> memref<8x4x64xf32, #tpu.memory_space<hbm>>
        %dma_wait3A_56 = arith.constant 0 : i32
        %dma_wait3A_57 = arith.constant 0 : i32
        %dma_wait3A_58 = arith.constant 999936 : i32
        %dma_wait3A_59 = tpu.memref_slice %arg2[%dma_wait3A_56, %dma_wait3A_57, %dma_wait3A_58] : memref<8x4x1000000xf32, #tpu.memory_space<hbm>> -> memref<8x4x64xf32, #tpu.memory_space<hbm>>
        tpu.wait_dma2 semaphore(%run_scoped3A_45 : memref<!tpu.dma_semaphore, #tpu.memory_space<semaphore_mem>>) src(%dma_wait3A_59 : memref<8x4x64xf32, #tpu.memory_space<hbm>>) dst(%arg5 : memref<8x4x64xf32, #tpu.memory_space<vmem>>)
        tpu.yield
      }) : () -> ()
      %run_scoped3A_39 = arith.constant 3 : i32
      %run_scoped3A_40 = arith.constant 0 : i32
      "tpu.region"() ({
        %run_scoped3A_45 = tpu.sem_alloc : memref<!tpu.dma_semaphore, #tpu.memory_space<semaphore_mem>>
        %dma_start3A = arith.constant 0 : i32
        %dma_start3A_46 = arith.constant 0 : i32
        %dma_start3A_47 = tpu.memref_slice %arg5[%dma_start3A, %run_scoped3A_39, %dma_start3A_46] : memref<8x4x64xf32, #tpu.memory_space<vmem>> -> memref<8x1x64xf32, #tpu.memory_space<vmem>>
        %dma_start3A_48 = tpu.memref_squeeze %dma_start3A_47 : memref<8x1x64xf32, #tpu.memory_space<vmem>> -> memref<8x64xf32, #tpu.memory_space<vmem>>
        %dma_start3A_49 = arith.constant 0 : i32
        %dma_start3A_50 = arith.constant 999936 : i32
        %dma_start3A_51 = tpu.memref_slice %arg3[%run_scoped3A_40, %dma_start3A_49, %dma_start3A_50] : memref<3x8x1000000xf32, #tpu.memory_space<hbm>> -> memref<1x8x64xf32, #tpu.memory_space<hbm>>
        %dma_start3A_52 = tpu.memref_squeeze %dma_start3A_51 : memref<1x8x64xf32, #tpu.memory_space<hbm>> -> memref<8x64xf32, #tpu.memory_space<hbm>>
        %dma_start3A_53 = arith.constant 0 : i32
        %dma_start3A_54 = arith.constant 999936 : i32
        %dma_start3A_55 = tpu.memref_slice %arg3[%run_scoped3A_40, %dma_start3A_53, %dma_start3A_54] : memref<3x8x1000000xf32, #tpu.memory_space<hbm>> -> memref<1x8x64xf32, #tpu.memory_space<hbm>>
        %dma_start3A_56 = tpu.memref_squeeze %dma_start3A_55 : memref<1x8x64xf32, #tpu.memory_space<hbm>> -> memref<8x64xf32, #tpu.memory_space<hbm>>
        %dma_start3A_57 = arith.constant 0 : i32
        %dma_start3A_58 = arith.constant 0 : i32
        %dma_start3A_59 = tpu.memref_slice %arg5[%dma_start3A_57, %run_scoped3A_39, %dma_start3A_58] : memref<8x4x64xf32, #tpu.memory_space<vmem>> -> memref<8x1x64xf32, #tpu.memory_space<vmem>>
        %dma_start3A_60 = tpu.memref_squeeze %dma_start3A_59 : memref<8x1x64xf32, #tpu.memory_space<vmem>> -> memref<8x64xf32, #tpu.memory_space<vmem>>
        tpu.enqueue_dma source(%dma_start3A_60 : memref<8x64xf32, #tpu.memory_space<vmem>>) target(%dma_start3A_56 : memref<8x64xf32, #tpu.memory_space<hbm>>) target_semaphore(%run_scoped3A_45 : memref<!tpu.dma_semaphore, #tpu.memory_space<semaphore_mem>>)
        %dma_wait3A = arith.constant 0 : i32
        %dma_wait3A_61 = arith.constant 0 : i32
        %dma_wait3A_62 = tpu.memref_slice %arg5[%dma_wait3A, %run_scoped3A_39, %dma_wait3A_61] : memref<8x4x64xf32, #tpu.memory_space<vmem>> -> memref<8x1x64xf32, #tpu.memory_space<vmem>>
        %dma_wait3A_63 = tpu.memref_squeeze %dma_wait3A_62 : memref<8x1x64xf32, #tpu.memory_space<vmem>> -> memref<8x64xf32, #tpu.memory_space<vmem>>
        %dma_wait3A_64 = arith.constant 0 : i32
        %dma_wait3A_65 = arith.constant 999936 : i32
        %dma_wait3A_66 = tpu.memref_slice %arg3[%run_scoped3A_40, %dma_wait3A_64, %dma_wait3A_65] : memref<3x8x1000000xf32, #tpu.memory_space<hbm>> -> memref<1x8x64xf32, #tpu.memory_space<hbm>>
        %dma_wait3A_67 = tpu.memref_squeeze %dma_wait3A_66 : memref<1x8x64xf32, #tpu.memory_space<hbm>> -> memref<8x64xf32, #tpu.memory_space<hbm>>
        %dma_wait3A_68 = arith.constant 0 : i32
        %dma_wait3A_69 = arith.constant 999936 : i32
        %dma_wait3A_70 = tpu.memref_slice %arg3[%run_scoped3A_40, %dma_wait3A_68, %dma_wait3A_69] : memref<3x8x1000000xf32, #tpu.memory_space<hbm>> -> memref<1x8x64xf32, #tpu.memory_space<hbm>>
        %dma_wait3A_71 = tpu.memref_squeeze %dma_wait3A_70 : memref<1x8x64xf32, #tpu.memory_space<hbm>> -> memref<8x64xf32, #tpu.memory_space<hbm>>
        %dma_wait3A_72 = arith.constant 0 : i32
        %dma_wait3A_73 = arith.constant 0 : i32
        %dma_wait3A_74 = tpu.memref_slice %arg5[%dma_wait3A_72, %run_scoped3A_39, %dma_wait3A_73] : memref<8x4x64xf32, #tpu.memory_space<vmem>> -> memref<8x1x64xf32, #tpu.memory_space<vmem>>
        %dma_wait3A_75 = tpu.memref_squeeze %dma_wait3A_74 : memref<8x1x64xf32, #tpu.memory_space<vmem>> -> memref<8x64xf32, #tpu.memory_space<vmem>>
        tpu.wait_dma2 semaphore(%run_scoped3A_45 : memref<!tpu.dma_semaphore, #tpu.memory_space<semaphore_mem>>) src(%dma_wait3A_75 : memref<8x64xf32, #tpu.memory_space<vmem>>) dst(%dma_wait3A_71 : memref<8x64xf32, #tpu.memory_space<hbm>>)
        tpu.yield
      }) : () -> ()
      %run_scoped3A_41 = arith.constant 1 : i32
      %run_scoped3A_42 = arith.constant 1 : i32
      "tpu.region"() ({
        %run_scoped3A_45 = tpu.sem_alloc : memref<!tpu.dma_semaphore, #tpu.memory_space<semaphore_mem>>
        %dma_start3A = arith.constant 0 : i32
        %dma_start3A_46 = arith.constant 0 : i32
        %dma_start3A_47 = tpu.memref_slice %arg5[%dma_start3A, %run_scoped3A_41, %dma_start3A_46] : memref<8x4x64xf32, #tpu.memory_space<vmem>> -> memref<8x1x64xf32, #tpu.memory_space<vmem>>
        %dma_start3A_48 = tpu.memref_squeeze %dma_start3A_47 : memref<8x1x64xf32, #tpu.memory_space<vmem>> -> memref<8x64xf32, #tpu.memory_space<vmem>>
        %dma_start3A_49 = arith.constant 0 : i32
        %dma_start3A_50 = arith.constant 999936 : i32
        %dma_start3A_51 = tpu.memref_slice %arg3[%run_scoped3A_42, %dma_start3A_49, %dma_start3A_50] : memref<3x8x1000000xf32, #tpu.memory_space<hbm>> -> memref<1x8x64xf32, #tpu.memory_space<hbm>>
        %dma_start3A_52 = tpu.memref_squeeze %dma_start3A_51 : memref<1x8x64xf32, #tpu.memory_space<hbm>> -> memref<8x64xf32, #tpu.memory_space<hbm>>
        %dma_start3A_53 = arith.constant 0 : i32
        %dma_start3A_54 = arith.constant 999936 : i32
        %dma_start3A_55 = tpu.memref_slice %arg3[%run_scoped3A_42, %dma_start3A_53, %dma_start3A_54] : memref<3x8x1000000xf32, #tpu.memory_space<hbm>> -> memref<1x8x64xf32, #tpu.memory_space<hbm>>
        %dma_start3A_56 = tpu.memref_squeeze %dma_start3A_55 : memref<1x8x64xf32, #tpu.memory_space<hbm>> -> memref<8x64xf32, #tpu.memory_space<hbm>>
        %dma_start3A_57 = arith.constant 0 : i32
        %dma_start3A_58 = arith.constant 0 : i32
        %dma_start3A_59 = tpu.memref_slice %arg5[%dma_start3A_57, %run_scoped3A_41, %dma_start3A_58] : memref<8x4x64xf32, #tpu.memory_space<vmem>> -> memref<8x1x64xf32, #tpu.memory_space<vmem>>
        %dma_start3A_60 = tpu.memref_squeeze %dma_start3A_59 : memref<8x1x64xf32, #tpu.memory_space<vmem>> -> memref<8x64xf32, #tpu.memory_space<vmem>>
        tpu.enqueue_dma source(%dma_start3A_60 : memref<8x64xf32, #tpu.memory_space<vmem>>) target(%dma_start3A_56 : memref<8x64xf32, #tpu.memory_space<hbm>>) target_semaphore(%run_scoped3A_45 : memref<!tpu.dma_semaphore, #tpu.memory_space<semaphore_mem>>)
        %dma_wait3A = arith.constant 0 : i32
        %dma_wait3A_61 = arith.constant 0 : i32
        %dma_wait3A_62 = tpu.memref_slice %arg5[%dma_wait3A, %run_scoped3A_41, %dma_wait3A_61] : memref<8x4x64xf32, #tpu.memory_space<vmem>> -> memref<8x1x64xf32, #tpu.memory_space<vmem>>
        %dma_wait3A_63 = tpu.memref_squeeze %dma_wait3A_62 : memref<8x1x64xf32, #tpu.memory_space<vmem>> -> memref<8x64xf32, #tpu.memory_space<vmem>>
        %dma_wait3A_64 = arith.constant 0 : i32
        %dma_wait3A_65 = arith.constant 999936 : i32
        %dma_wait3A_66 = tpu.memref_slice %arg3[%run_scoped3A_42, %dma_wait3A_64, %dma_wait3A_65] : memref<3x8x1000000xf32, #tpu.memory_space<hbm>> -> memref<1x8x64xf32, #tpu.memory_space<hbm>>
        %dma_wait3A_67 = tpu.memref_squeeze %dma_wait3A_66 : memref<1x8x64xf32, #tpu.memory_space<hbm>> -> memref<8x64xf32, #tpu.memory_space<hbm>>
        %dma_wait3A_68 = arith.constant 0 : i32
        %dma_wait3A_69 = arith.constant 999936 : i32
        %dma_wait3A_70 = tpu.memref_slice %arg3[%run_scoped3A_42, %dma_wait3A_68, %dma_wait3A_69] : memref<3x8x1000000xf32, #tpu.memory_space<hbm>> -> memref<1x8x64xf32, #tpu.memory_space<hbm>>
        %dma_wait3A_71 = tpu.memref_squeeze %dma_wait3A_70 : memref<1x8x64xf32, #tpu.memory_space<hbm>> -> memref<8x64xf32, #tpu.memory_space<hbm>>
        %dma_wait3A_72 = arith.constant 0 : i32
        %dma_wait3A_73 = arith.constant 0 : i32
        %dma_wait3A_74 = tpu.memref_slice %arg5[%dma_wait3A_72, %run_scoped3A_41, %dma_wait3A_73] : memref<8x4x64xf32, #tpu.memory_space<vmem>> -> memref<8x1x64xf32, #tpu.memory_space<vmem>>
        %dma_wait3A_75 = tpu.memref_squeeze %dma_wait3A_74 : memref<8x1x64xf32, #tpu.memory_space<vmem>> -> memref<8x64xf32, #tpu.memory_space<vmem>>
        tpu.wait_dma2 semaphore(%run_scoped3A_45 : memref<!tpu.dma_semaphore, #tpu.memory_space<semaphore_mem>>) src(%dma_wait3A_75 : memref<8x64xf32, #tpu.memory_space<vmem>>) dst(%dma_wait3A_71 : memref<8x64xf32, #tpu.memory_space<hbm>>)
        tpu.yield
      }) : () -> ()
      %run_scoped3A_43 = arith.constant 2 : i32
      %run_scoped3A_44 = arith.constant 2 : i32
      "tpu.region"() ({
        %run_scoped3A_45 = tpu.sem_alloc : memref<!tpu.dma_semaphore, #tpu.memory_space<semaphore_mem>>
        %dma_start3A = arith.constant 0 : i32
        %dma_start3A_46 = arith.constant 0 : i32
        %dma_start3A_47 = tpu.memref_slice %arg5[%dma_start3A, %run_scoped3A_43, %dma_start3A_46] : memref<8x4x64xf32, #tpu.memory_space<vmem>> -> memref<8x1x64xf32, #tpu.memory_space<vmem>>
        %dma_start3A_48 = tpu.memref_squeeze %dma_start3A_47 : memref<8x1x64xf32, #tpu.memory_space<vmem>> -> memref<8x64xf32, #tpu.memory_space<vmem>>
        %dma_start3A_49 = arith.constant 0 : i32
        %dma_start3A_50 = arith.constant 999936 : i32
        %dma_start3A_51 = tpu.memref_slice %arg3[%run_scoped3A_44, %dma_start3A_49, %dma_start3A_50] : memref<3x8x1000000xf32, #tpu.memory_space<hbm>> -> memref<1x8x64xf32, #tpu.memory_space<hbm>>
        %dma_start3A_52 = tpu.memref_squeeze %dma_start3A_51 : memref<1x8x64xf32, #tpu.memory_space<hbm>> -> memref<8x64xf32, #tpu.memory_space<hbm>>
        %dma_start3A_53 = arith.constant 0 : i32
        %dma_start3A_54 = arith.constant 999936 : i32
        %dma_start3A_55 = tpu.memref_slice %arg3[%run_scoped3A_44, %dma_start3A_53, %dma_start3A_54] : memref<3x8x1000000xf32, #tpu.memory_space<hbm>> -> memref<1x8x64xf32, #tpu.memory_space<hbm>>
        %dma_start3A_56 = tpu.memref_squeeze %dma_start3A_55 : memref<1x8x64xf32, #tpu.memory_space<hbm>> -> memref<8x64xf32, #tpu.memory_space<hbm>>
        %dma_start3A_57 = arith.constant 0 : i32
        %dma_start3A_58 = arith.constant 0 : i32
        %dma_start3A_59 = tpu.memref_slice %arg5[%dma_start3A_57, %run_scoped3A_43, %dma_start3A_58] : memref<8x4x64xf32, #tpu.memory_space<vmem>> -> memref<8x1x64xf32, #tpu.memory_space<vmem>>
        %dma_start3A_60 = tpu.memref_squeeze %dma_start3A_59 : memref<8x1x64xf32, #tpu.memory_space<vmem>> -> memref<8x64xf32, #tpu.memory_space<vmem>>
        tpu.enqueue_dma source(%dma_start3A_60 : memref<8x64xf32, #tpu.memory_space<vmem>>) target(%dma_start3A_56 : memref<8x64xf32, #tpu.memory_space<hbm>>) target_semaphore(%run_scoped3A_45 : memref<!tpu.dma_semaphore, #tpu.memory_space<semaphore_mem>>)
        %dma_wait3A = arith.constant 0 : i32
        %dma_wait3A_61 = arith.constant 0 : i32
        %dma_wait3A_62 = tpu.memref_slice %arg5[%dma_wait3A, %run_scoped3A_43, %dma_wait3A_61] : memref<8x4x64xf32, #tpu.memory_space<vmem>> -> memref<8x1x64xf32, #tpu.memory_space<vmem>>
        %dma_wait3A_63 = tpu.memref_squeeze %dma_wait3A_62 : memref<8x1x64xf32, #tpu.memory_space<vmem>> -> memref<8x64xf32, #tpu.memory_space<vmem>>
        %dma_wait3A_64 = arith.constant 0 : i32
        %dma_wait3A_65 = arith.constant 999936 : i32
        %dma_wait3A_66 = tpu.memref_slice %arg3[%run_scoped3A_44, %dma_wait3A_64, %dma_wait3A_65] : memref<3x8x1000000xf32, #tpu.memory_space<hbm>> -> memref<1x8x64xf32, #tpu.memory_space<hbm>>
        %dma_wait3A_67 = tpu.memref_squeeze %dma_wait3A_66 : memref<1x8x64xf32, #tpu.memory_space<hbm>> -> memref<8x64xf32, #tpu.memory_space<hbm>>
        %dma_wait3A_68 = arith.constant 0 : i32
        %dma_wait3A_69 = arith.constant 999936 : i32
        %dma_wait3A_70 = tpu.memref_slice %arg3[%run_scoped3A_44, %dma_wait3A_68, %dma_wait3A_69] : memref<3x8x1000000xf32, #tpu.memory_space<hbm>> -> memref<1x8x64xf32, #tpu.memory_space<hbm>>
        %dma_wait3A_71 = tpu.memref_squeeze %dma_wait3A_70 : memref<1x8x64xf32, #tpu.memory_space<hbm>> -> memref<8x64xf32, #tpu.memory_space<hbm>>
        %dma_wait3A_72 = arith.constant 0 : i32
        %dma_wait3A_73 = arith.constant 0 : i32
        %dma_wait3A_74 = tpu.memref_slice %arg5[%dma_wait3A_72, %run_scoped3A_43, %dma_wait3A_73] : memref<8x4x64xf32, #tpu.memory_space<vmem>> -> memref<8x1x64xf32, #tpu.memory_space<vmem>>
        %dma_wait3A_75 = tpu.memref_squeeze %dma_wait3A_74 : memref<8x1x64xf32, #tpu.memory_space<vmem>> -> memref<8x64xf32, #tpu.memory_space<vmem>>
        tpu.wait_dma2 semaphore(%run_scoped3A_45 : memref<!tpu.dma_semaphore, #tpu.memory_space<semaphore_mem>>) src(%dma_wait3A_75 : memref<8x64xf32, #tpu.memory_space<vmem>>) dst(%dma_wait3A_71 : memref<8x64xf32, #tpu.memory_space<hbm>>)
        tpu.yield
      }) : () -> ()
    } else {
    }
    return
  }
}

</mosaic_0001>

<sc_bundles>
// kernel: kernel.3.cloned.1.call-start
scs
__scs_entry_jumppad:
0x0: {  	(pc) =	sbr.rel $0x88, $3  }
0x1: {  	(tag) =	ssettag $0x0;
	lr =	simm.s32 $0x1  }
0x2: {  	[smem:$0x3FA0] =	sst lr;
	_ =	strace $0xD0000000  }
0x3: {  	_ = 	snop  }
0x4: {  	_ = 	snop  }
0x5: {  	_ = 	snop  }
0x6: {  	_ = 	snop  }
0x7: {  	_ = 	snop  }
__scs_overlays_trampoline_lowered:
0x8: {  	[smem:$0x3FAF] =	sst s0  }
0x9: {  	[smem:$0x3FB0] =	sst s1  }
0xa: {  	[smem:$0x3FB1] =	sst s2  }
0xb: {  	[smem:$0x3FB2] =	sst s3  }
0xc: {  	[smem:$0x3FB3] =	sst s4  }
0xd: {  	[smem:$0x3FB4] =	sst s5  }
0xe: {  	[smem:$0x3FB5] =	sst s6  }
0xf: {  	[smem:$0x3FB6] =	sst s7  }
0x10: {  	[smem:$0x3FB7] =	sst s8  }
0x11: {  	[smem:$0x3FB8] =	sst s9;
	s0 =	simm.s32 @!p0 $0x0  }
0x12: {  	s1 =	sld [smem:$0x3F9E];
	s0 =	simm.s32 @p0 $0x1  }
0x13: {  	[smem:$0x3FB9] =	sst s0;
	s0 =	simm.s32 @!p1 $0x0  }
0x14: {  	s2 =	sld [smem:$0x3F9D];
	s0 =	simm.s32 @p1 $0x1  }
0x15: {  	[smem:$0x3FBA] =	sst s0;
	s0 =	simm.s32 @!p2 $0x0  }
0x16: {  	s3 =	sld [smem:$0x3FDB];
	s0 =	simm.s32 @p2 $0x1  }
0x17: {  	s4 =	simm.s32 $0x1BF5;
	[smem:$0x3FBC] =	sst s0  }
0x18: {  	s0 =	sld [smem:$0x3F9F];
	_ =	swait.ge [sflag:s4], $0x0  }
0x19: {  	s7 =	sld [smem:$0x3FA0]  }
0x1a: {  	s8 =	sadd.s32 $0xFFFFE003, lr  }
0x1b: {  	s9 =	sadd.s32 $0xFFFFFEF7, lr;
	s5 =	simm.s32 $0xFFFFFFFF;
	p2 =	slt.u32 s8, $0xFFFFF086  }
0x1c: {  	p1 =	slt.u32 s9, $0xF7A;
	s5 =	simm.s32 @!p2 $0x0  }
0x1d: {  	s5 =	simm.s32 @p1 $0x1;
	p0 =	seq.s32 s7, s2  }
0x1e: {  	s7 =	smul.u32 @!p0 $0xF7A, s2;
	p2 =	seq.s32 @!p0 s5, $0x0  }
0x1f: {  	s9 =	smul.u32 $0xF7A, s1;
	s8 =	simm.s32 @!p0 $0x1BF5;
	p2 =	por !p2, p0  }
0x20: {  	[sflag:s8] =	ssyncset.s32 @!p0 $0xFFFFF086;
	s6 =	sadd.s32 @!p0 s3, s7;
	s7 =	simm.s32 @!p0 $0x108  }
0x21: {  	s3 =	sadd.s32 s3, s9;
	s6 =	sadd.s32 @!p0 $0x88, s6;
	s7 =	simm.s32 @p2 $0x1082  }
0x22: {  	[simem:s7], [sflag:s8] =	dma.local @!p0 [hbm:s6], $0xF7A  }
0x23: {  	s9 =	sor.u32 $0xD0000000, s2;
	s6 =	simm.s32 $0x108;
	_ =	swait.ge @!p0 [sflag:s8], $0x0  }
0x24: {  	s3 =	sadd.s32 $0x88, s3;
	s6 =	simm.s32 @!p1 $0x1082;
	[sflag:s4] =	ssyncset.s32 $0xFFFFF086  }
0x25: {  	[simem:s6], [sflag:s4] =	dma.local [hbm:s3], $0xF7A  }
0x26: {  	[smem:$0x3FA0] =	sst s1;
	(tag) =	ssettag s2;
	_ =	strace s9  }
0x27: {  	s1 =	sld [smem:$0x3FB0]  }
0x28: {  	s2 =	sld [smem:$0x3FB1]  }
0x29: {  	s4 =	sld [smem:$0x3FB3]  }
0x2a: {  	p0 =	seq.s32 s5, $0x0;
	s5 =	sld [smem:$0x3FB4]  }
0x2b: {  	s6 =	sld [smem:$0x3FB5]  }
0x2c: {  	s7 =	sld [smem:$0x3FB6]  }
0x2d: {  	s3 =	simm.s32 $0x108;
	s8 =	sld [smem:$0x3FB7]  }
0x2e: {  	s3 =	simm.s32 @!p0 $0x1082;
	s9 =	sld [smem:$0x3FB8]  }
0x2f: {  	lr =	sadd.s32 s0, s3;
	s0 =	sld [smem:$0x3FAF]  }
0x30: {  	s3 =	sld [smem:$0x3FB2]  }
0x31: {  	[smem:$0x3FBB] =	sst s10  }
0x32: {  	s10 =	sld [smem:$0x3FB9];
	_ =	sdelay $0x3  }
0x33: {  	p0 =	seq.s32 s10, $0x1;
	s10 =	sld [smem:$0x3FBB];
	_ =	sdelay $0x3  }
0x34: {  	[smem:$0x3FBB] =	sst s10  }
0x35: {  	s10 =	sld [smem:$0x3FBA];
	_ =	sdelay $0x3  }
0x36: {  	p1 =	seq.s32 s10, $0x1;
	s10 =	sld [smem:$0x3FBB];
	_ =	sdelay $0x3  }
0x37: {  	[smem:$0x3FBB] =	sst s10  }
0x38: {  	s10 =	sld [smem:$0x3FBC]  }
0x39: {  	_ = 	snop;
	(pc) =	sbr.ind lr, $3  }
0x3a: {  	_ = 	snop  }
0x3b: {  	_ = 	snop  }
0x3c: {  	p2 =	seq.s32 s10, $0x1;
	s10 =	sld [smem:$0x3FBB]  }
0x3d: {  	_ =	shalt  }
0x3e: {  	_ =	shalt  }
0x3f: {  	_ =	shalt  }
0x40: {  	_ =	shalt  }
0x41: {  	_ =	shalt  }
0x42: {  	_ =	shalt  }
0x43: {  	_ =	shalt  }
0x44: {  	_ =	shalt  }
0x45: {  	_ =	shalt  }
0x46: {  	_ =	shalt  }
0x47: {  	_ =	shalt  }
0x48: {  	_ =	shalt  }
0x49: {  	_ =	shalt  }
0x4a: {  	_ =	shalt  }
0x4b: {  	_ =	shalt  }
0x4c: {  	_ =	shalt  }
0x4d: {  	_ =	shalt  }
0x4e: {  	_ =	shalt  }
0x4f: {  	_ =	shalt  }
0x50: {  	_ =	shalt  }
0x51: {  	_ =	shalt  }
0x52: {  	_ =	shalt  }
0x53: {  	_ =	shalt  }
0x54: {  	_ =	shalt  }
0x55: {  	_ =	shalt  }
0x56: {  	_ =	shalt  }
0x57: {  	_ =	shalt  }
0x58: {  	_ =	shalt  }
0x59: {  	_ =	shalt  }
0x5a: {  	_ =	shalt  }
0x5b: {  	_ =	shalt  }
0x5c: {  	_ =	shalt  }
0x5d: {  	_ =	shalt  }
0x5e: {  	_ =	shalt  }
0x5f: {  	_ =	shalt  }
0x60: {  	_ =	shalt  }
0x61: {  	_ =	shalt  }
0x62: {  	_ =	shalt  }
0x63: {  	_ =	shalt  }
0x64: {  	_ =	shalt  }
0x65: {  	_ =	shalt  }
0x66: {  	_ =	shalt  }
0x67: {  	_ =	shalt  }
0x68: {  	_ =	shalt  }
0x69: {  	_ =	shalt  }
0x6a: {  	_ =	shalt  }
0x6b: {  	_ =	shalt  }
0x6c: {  	_ =	shalt  }
0x6d: {  	_ =	shalt  }
0x6e: {  	_ =	shalt  }
0x6f: {  	_ =	shalt  }
0x70: {  	_ =	shalt  }
0x71: {  	_ =	shalt  }
0x72: {  	_ =	shalt  }
0x73: {  	_ =	shalt  }
0x74: {  	_ =	shalt  }
0x75: {  	_ =	shalt  }
0x76: {  	_ =	shalt  }
0x77: {  	_ =	shalt  }
0x78: {  	_ =	shalt  }
0x79: {  	_ =	shalt  }
0x7a: {  	_ =	shalt  }
0x7b: {  	_ =	shalt  }
0x7c: {  	_ =	shalt  }
0x7d: {  	_ =	shalt  }
0x7e: {  	_ =	shalt  }
0x7f: {  	_ =	shalt  }
0x80: {  	_ =	shalt  }
0x81: {  	_ =	shalt  }
0x82: {  	_ =	shalt  }
0x83: {  	_ =	shalt  }
0x84: {  	_ =	shalt  }
0x85: {  	_ =	shalt  }
0x86: {  	_ =	shalt  }
0x87: {  	_ =	shalt  }
.Lfunc_end0:
.L_simem_size_0:
called_computation_lowered:
.L_overlay_start_0:
0x88: {  	s2 =	sld [smem:$0x3FD9]  }
0x89: {  	s3 =	sld [smem:$0x3FFE];
	_ =	sdelay $0x1  }
0x8a: {  	s1 =	srdreg.scid  }
0x8b: {  	s0 =	sand.u32 $0x1, s1  }
0x8c: {  	s18 =	sshll.u32 s0, $0xA;
	s2 =	sadd.s32 s3, s2  }
0x8d: {  	s2 =	sadd.s32 s2, s18  }
0x8e: {  	[smem:$0x3FC7] =	sst s2  }
0x8f: {  	_ = 	snop  }
0x90: {  	s2 =	sld [smem:$0x3FC9]  }
0x91: {  	s19 =	sld [smem:$0x3FD0];
	(tm) =	ssettm $0x1  }
0x92: {  	s4 =	sld [smem:$0x3FFB];
	_ =	sdelay $0x3  }
0x93: {  	_ =	strace s4  }
0x94: {  	s4 =	sld [smem:$0x3FFC];
	_ =	sdelay $0x3  }
0x95: {  	_ =	strace s4  }
0x96: {  	s4 =	sld [smem:$0x3FFD];
	_ =	sdelay $0x3  }
0x97: {  	_ =	strace s4  }
0x98: {  	_ =	strace $0x8FFFFFFF  }
0x99: {  	s20 =	sld [smem:$0x3FDB];
	_ =	sdelay $0x1  }
0x9a: {  	s5 =	simm.s32 $_scs_section_size  }
0x9b: {  	s6 =	simm.s32 $_size__tile_overlayer_lowered;
	s7 =	simm.s32 $_tile_overlayer_lowered  }
0x9c: {  	s23 =	simm.s32 $0x1BFF;
	s22 =	sshll.u32 s7, $0x1;
	s4 =	sadd.s32 s5, s20  }
0x9d: {  	s8 =	simm.s32 $0x0;
	s21 =	sshll.u32 s6, $0x1;
	s6 =	sadd.s32 s22, s4  }
0x9e: {  	[timem:s8], [sflag:s23] =	dma.local [hbm:s6], s21  }
0x9f: {  	_ =	swait.ge [sflag:s23], s21  }
0xa0: {  	s5 =	ssub.s32 $0x0, s21;
	[sflag:s23] =	ssyncset.done $0x0  }
0xa1: {  	[sflag:s23] =	ssyncadd.s32 s5;
	_ =	sdelay $0x1  }
0xa2: {  	s24 =	simm.s32 $0x1B8B  }
0xa3: {  	_ =	swait.ge [sflag:s24], $0x1  }
0xa4: {  	[sflag:s24] =	ssyncset.done $0x0  }
0xa5: {  	s25 =	simm.s32 $0x1B8E;
	[sflag:s24] =	ssyncadd.s32 $0xFFFFFFFF  }
0xa6: {  	s26 =	simm.s32 $execute0_lowered;
	[smem:$0x3FD2] =	sst s25  }
0xa7: {  	s5 =	sshll.u32 s26, $0x1;
	_ =	strace $0x80000046;
	[dreg:$0x1] =	wrdreg $0xFFFFFFFF  }
0xa8: {  	s28 =	simm.s32 $_size_execute0_lowered;
	s4 =	sadd.s32 s4, s5;
	[dreg:$0x0] =	wrdreg $0x0  }
0xa9: {  	s5 =	sshll.u32 s28, $0x1;
	[dreg:$0x2] =	wrdreg s4  }
0xaa: {  	[dreg:$0x3] =	wrdreg s5  }
0xab: {  	[dreg:$0x4] =	wrdreg $0xC0  }
0xac: {  	_ =	task [dreg:s8], $0x5FFFF  }
0xad: {  	[dreg:$0x1] =	wrdreg $0xFFFFFFFF  }
0xae: {  	[dreg:$0x0] =	wrdreg $0x60  }
0xaf: {  	[dreg:$0x2] =	wrdreg s2  }
0xb0: {  	[dreg:$0x3] =	wrdreg s19  }
0xb1: {  	[dreg:$0x4] =	wrdreg $0x9  }
0xb2: {  	_ =	task.clear_ibuf [dreg:s8], $0x5FFFF;
	_ =	strace $0x90000046  }
0xb3: {  	s29 =	simm.s32 $0x9;
	_ =	strace $0x80000048  }
0xb4: {  	_ =	swait.ge [sflag:s29], $0x1  }
0xb5: {  	[sflag:s29] =	ssyncadd.s32 $0xFFFFFFFF  }
0xb6: {  	_ =	strace $0x90000048  }
0xb7: {  	_ =	sfence  }
0xb8: {  	s30 =	sld [smem:$0x0];
	_ =	sdelay $0x2  }
0xb9: {  	s31 =	sshll.u32 s1, $0xD;
	s1 =	sshrl.u32 s1, $0x2  }
0xba: {  	s3 =	sand.u32 $0x4000, s31;
	s1 =	sadd.s32 s1, s30  }
0xbb: {  	s0 =	sor.u32 s3, s0;
	s1 =	sshll.u32 s1, $0x11  }
0xbc: {  	s0 =	sor.u32 s1, s0  }
0xbd: {  	s0 =	sadd.s32 $0x8F2B, s0  }
0xbe: {  	[sflag:s0] =	ssyncadd.remote.s32 $0x1  }
0xbf: {  	_ =	sfence.sel $0xFFFF  }
0xc0: {  	[dreg:$0x0] =	wrdreg $0xFFFFFFFF;
	(pc) =	sbr.abs _section_cstart, $3  }
0xc1: {  	[dreg:$0x1] =	wrdreg $0xFFFFFFFF  }
0xc2: {  	_ =	task.clear_ibuf [dreg:s8], $0x2FFFF;
	_ =	strace $0x9FFFFFFF  }
0xc3: {  	(tm) =	ssettm $0x7FFFFFFF  }
tec
execute0_lowered:
.L_overlay_start_1:
0x0: {  	(tag) =	ssettag $0x1  }
0x1: {  	s1 =	rddreg [dreg:$0x0]  }
0x2: {  	s2 =	rddreg [dreg:$0x1];
	s0 =	srdreg.scid;
	s4 =	simm.s32 $0x0  }
0x3: {  	s6 =	stileid.u32;
	s16 =	simm.s32 $0x3600;
	s17 =	simm.s32 $0x3D0A00  }
0x4: {  	s18 =	simm.s32 $0x1;
	s19 =	simm.s32 $0x1B900;
	s20 =	simm.s32 $0x1BB00  }
0x5: {  	s21 =	simm.s32 $0x1BD00;
	s22 =	simm.s32 $0x1BF00;
	s23 =	simm.s32 $0x0  }
0x6: {  	s0 =	sand.u32 $0x1, s0;
	[smem:$0x7FF] =	sst s4;
	s6 =	sshll.u32 s6, $0x1  }
0x7: {  	s7 =	sadd.s32 $0xF3D80, s2;
	s8 =	sadd.s32 $0x2DC280, s2;
	s9 =	sadd.s32 $0x1E8000, s2  }
.Ltmp0:
0x8: {  	s10 =	sadd.s32 $0x7A100, s1;
	s3 =	ssub.s32 $0x2, s0;
	(pc) =	sbr.rel .LBB2_1-.Ltmp0, $4  }
0x9: {  	s11 =	sadd.s32 $0x1E8480, s2;
	s12 =	sadd.s32 $0xF4200, s2;
	s5 =	sshrl.u32 s3, $0x1  }
0xa: {  	s13 =	sadd.s32 $0x2DC700, s2;
	s3 =	ssub.s32 s3, s5;
	s5 =	sor.u32 s0, s6  }
0xb: {  	_ =	strace $0x80000047;
	s6 =	sadd.s32 $0x79EC0, s1;
	s0 =	ssub.s32 $0x140, s5  }
0xc: {  	s15 =	smax.u32 s3, $0x1;
	p0 =	sne.s32 s5, $0x1F;
	s14 =	sshrl.u32 s0, $0x5  }
.LBB2_17:
0xd: {  	s23 =	sadd.s32 $0x1, s23  }
0xe: {  	p1 =	sne.s32 s23, s15  }
.Ltmp1:
0xf: {  	_ = 	snop;
	(pc) =	sbr.rel @!p1 .LBB2_18-.Ltmp1, $1  }
0x10: {  	_ =	sdelay $0x3  }
.LBB2_1:
0x11: {  	s24 =	simm.s32 $0x0  }
.LBB2_2:
0x12: {  	s25 =	sshll.u32 s24, $0x5  }
0x13: {  	s25 =	sor.u32 s5, s25  }
0x14: {  	s26 =	smul.u32 $0x3600, s25;
	_ =	sdelay $0x1  }
0x15: {  	s26 =	sshrl.u32 s26, $0x3  }
0x16: {  	s28 =	simm.s32 $0x0;
	s25 =	smul.u32 $0x6C00, s25;
	s26 =	sadd.s32 s1, s26  }
0x17: {  	[tilespmem:s28], [sflag:$0x1] =	stream.strided.gather [hbm4b:s26+s16], $0x1B000, s17, s16, $0x38;
	[tilespmem:$0x1C000] =	vst v63  }
0x18: {  	_ =	swait.ge [sflag:s18], $0x1B000  }
0x19: {  	s0 =	sshrl.u32 s25, $0x3;
	[sflag:s18] =	ssyncset.done $0x0  }
0x1a: {  	s3 =	simm.s32 $0x180;
	s28 =	sadd.s32 s2, s0;
	[sflag:s18] =	ssyncadd.s32 $0xFFFE5000  }
0x1b: {  	[hbm4b:s28+s4] =	stream.linear.scatter [tilespmem:s3], [sflag:$0x1], $0x80, $0x38;
	[tilespmem:$0x1C000] =	vst v63  }
0x1c: {  	s0 =	simm.s32 $0x3780;
	s29 =	sadd.s32 $0x10, s28  }
0x1d: {  	[hbm4b:s29+s4] =	stream.linear.scatter [tilespmem:s0], [sflag:$0x1], $0x80, $0x38;
	[tilespmem:$0x1C000] =	vst v63  }
0x1e: {  	s3 =	simm.s32 $0x6D80;
	s29 =	sadd.s32 $0x20, s28  }
0x1f: {  	[hbm4b:s29+s4] =	stream.linear.scatter [tilespmem:s3], [sflag:$0x1], $0x80, $0x38;
	[tilespmem:$0x1C000] =	vst v63  }
0x20: {  	s0 =	simm.s32 $0xA380;
	s29 =	sadd.s32 $0x30, s28  }
0x21: {  	[hbm4b:s29+s4] =	stream.linear.scatter [tilespmem:s0], [sflag:$0x1], $0x80, $0x38;
	[tilespmem:$0x1C000] =	vst v63  }
0x22: {  	s3 =	simm.s32 $0xD980;
	s29 =	sadd.s32 $0x40, s28  }
0x23: {  	[hbm4b:s29+s4] =	stream.linear.scatter [tilespmem:s3], [sflag:$0x1], $0x80, $0x38;
	[tilespmem:$0x1C000] =	vst v63  }
0x24: {  	s30 =	simm.s32 $0x17B80;
	s0 =	simm.s32 $0x10F80;
	s29 =	sadd.s32 $0x50, s28  }
0x25: {  	[hbm4b:s29+s4] =	stream.linear.scatter [tilespmem:s0], [sflag:$0x1], $0x80, $0x38;
	[tilespmem:$0x1C000] =	vst v63  }
0x26: {  	s26 =	simm.s32 $0x200;
	s3 =	simm.s32 $0x14580;
	s29 =	sadd.s32 $0x60, s28  }
0x27: {  	[hbm4b:s29+s4] =	stream.linear.scatter [tilespmem:s3], [sflag:$0x1], $0x80, $0x38;
	[tilespmem:$0x1C000] =	vst v63  }
0x28: {  	s31 =	sadd.s32 $0x70, s28;
	s28 =	sadd.s32 $0x80, s28;
	s29 =	simm.s32 $0x1000  }
.LBB2_3:
0x29: {  	[hbm4b:s31+s4] =	stream.linear.scatter [tilespmem:s30], [sflag:$0x1], $0x80, $0x38;
	[tilespmem:$0x1C000] =	vst v63  }
0x2a: {  	s30 =	smov.u32 s26;
	s26 =	smov.u32 s29  }
0x2b: {  	s0 =	sadd.s32 $0x800, s29;
	s26 =	sshra.s32 s26, $0x2;
	s31 =	sadd.s32 $0x180, s30  }
0x2c: {  	[hbm4b:s28+s4] =	stream.linear.scatter [tilespmem:s31], [sflag:$0x1], $0x80, $0x38;
	[tilespmem:$0x1C000] =	vst v63  }
0x2d: {  	p1 =	sne.s32 s29, $0xD000;
	s29 =	sadd.s32 $0x3780, s30;
	s31 =	sadd.s32 $0x10, s28  }
0x2e: {  	[hbm4b:s31+s4] =	stream.linear.scatter [tilespmem:s29], [sflag:$0x1], $0x80, $0x38;
	[tilespmem:$0x1C000] =	vst v63  }
0x2f: {  	s29 =	sadd.s32 $0x6D80, s30;
	s31 =	sadd.s32 $0x20, s28  }
0x30: {  	[hbm4b:s31+s4] =	stream.linear.scatter [tilespmem:s29], [sflag:$0x1], $0x80, $0x38;
	[tilespmem:$0x1C000] =	vst v63  }
0x31: {  	s29 =	sadd.s32 $0xA380, s30;
	s31 =	sadd.s32 $0x30, s28  }
0x32: {  	[hbm4b:s31+s4] =	stream.linear.scatter [tilespmem:s29], [sflag:$0x1], $0x80, $0x38;
	[tilespmem:$0x1C000] =	vst v63  }
0x33: {  	s29 =	sadd.s32 $0xD980, s30;
	s31 =	sadd.s32 $0x40, s28  }
0x34: {  	[hbm4b:s31+s4] =	stream.linear.scatter [tilespmem:s29], [sflag:$0x1], $0x80, $0x38;
	[tilespmem:$0x1C000] =	vst v63  }
.Ltmp2:
0x35: {  	s29 =	sadd.s32 $0x10F80, s30;
	s31 =	sadd.s32 $0x50, s28;
	(pc) =	sbr.rel @p1 .LBB2_3-.Ltmp2, $4  }
0x36: {  	[hbm4b:s31+s4] =	stream.linear.scatter [tilespmem:s29], [sflag:$0x1], $0x80, $0x38;
	[tilespmem:$0x1C000] =	vst v63  }
0x37: {  	s29 =	sadd.s32 $0x14580, s30;
	s31 =	sadd.s32 $0x60, s28;
	s30 =	sadd.s32 $0x17B80, s30  }
0x38: {  	[hbm4b:s31+s4] =	stream.linear.scatter [tilespmem:s29], [sflag:$0x1], $0x80, $0x38;
	[tilespmem:$0x1C000] =	vst v63  }
0x39: {  	s31 =	sadd.s32 $0x70, s28;
	s28 =	sadd.s32 $0x80, s28;
	s29 =	smov.u32 s0  }
0x3a: {  	[hbm4b:s31+s4] =	stream.linear.scatter [tilespmem:s30], [sflag:$0x1], $0x80, $0x38;
	[tilespmem:$0x1C000] =	vst v63  }
0x3b: {  	s0 =	sadd.s32 $0x180, s26  }
0x3c: {  	[hbm4b:s28+s4] =	stream.linear.scatter [tilespmem:s0], [sflag:$0x1], $0x80, $0x38;
	[tilespmem:$0x1C000] =	vst v63  }
0x3d: {  	s3 =	sadd.s32 $0x3780, s26;
	s29 =	sadd.s32 $0x10, s28  }
0x3e: {  	[hbm4b:s29+s4] =	stream.linear.scatter [tilespmem:s3], [sflag:$0x1], $0x80, $0x38;
	[tilespmem:$0x1C000] =	vst v63  }
0x3f: {  	s3 =	sadd.s32 $0x6D80, s26;
	s29 =	sadd.s32 $0x20, s28  }
0x40: {  	[hbm4b:s29+s4] =	stream.linear.scatter [tilespmem:s3], [sflag:$0x1], $0x80, $0x38;
	[tilespmem:$0x1C000] =	vst v63  }
0x41: {  	s3 =	sadd.s32 $0xA380, s26;
	s29 =	sadd.s32 $0x30, s28  }
0x42: {  	[hbm4b:s29+s4] =	stream.linear.scatter [tilespmem:s3], [sflag:$0x1], $0x80, $0x38;
	[tilespmem:$0x1C000] =	vst v63  }
0x43: {  	s3 =	sadd.s32 $0xD980, s26;
	s29 =	sadd.s32 $0x40, s28  }
0x44: {  	[hbm4b:s29+s4] =	stream.linear.scatter [tilespmem:s3], [sflag:$0x1], $0x80, $0x38;
	[tilespmem:$0x1C000] =	vst v63  }
0x45: {  	s3 =	sadd.s32 $0x10F80, s26;
	s29 =	sadd.s32 $0x50, s28  }
0x46: {  	[hbm4b:s29+s4] =	stream.linear.scatter [tilespmem:s3], [sflag:$0x1], $0x80, $0x38;
	[tilespmem:$0x1C000] =	vst v63  }
0x47: {  	s3 =	sadd.s32 $0x14580, s26;
	s29 =	sadd.s32 $0x60, s28  }
0x48: {  	[hbm4b:s29+s4] =	stream.linear.scatter [tilespmem:s3], [sflag:$0x1], $0x80, $0x38;
	[tilespmem:$0x1C000] =	vst v63  }
0x49: {  	s26 =	sadd.s32 $0x17B80, s26;
	s3 =	sadd.s32 $0x70, s28  }
0x4a: {  	[hbm4b:s3+s4] =	stream.linear.scatter [tilespmem:s26], [sflag:$0x1], $0x80, $0x38;
	[tilespmem:$0x1C000] =	vst v63  }
0x4b: {  	s26 =	sadd.s32 $0x7A1400, s25;
	_ =	swait.ge [sflag:s18], $0x6C00  }
0x4c: {  	s0 =	sshrl.u32 s26, $0x3;
	[sflag:s18] =	ssyncset.done $0x0  }
0x4d: {  	s3 =	simm.s32 $0x80;
	s0 =	sadd.s32 s2, s0;
	[sflag:s18] =	ssyncadd.s32 $0xFFFF9400  }
0x4e: {  	[hbm4b:s0+s4] =	stream.linear.scatter [tilespmem:s3], [sflag:$0x1], $0x80, $0x38;
	[tilespmem:$0x1C000] =	vst v63  }
0x4f: {  	s28 =	sadd.s32 $0x10, s0;
	s3 =	simm.s32 $0x3680  }
0x50: {  	[hbm4b:s28+s4] =	stream.linear.scatter [tilespmem:s3], [sflag:$0x1], $0x80, $0x38;
	[tilespmem:$0x1C000] =	vst v63  }
0x51: {  	s3 =	simm.s32 $0x6C80;
	s28 =	sadd.s32 $0x20, s0  }
0x52: {  	[hbm4b:s28+s4] =	stream.linear.scatter [tilespmem:s3], [sflag:$0x1], $0x80, $0x38;
	[tilespmem:$0x1C000] =	vst v63  }
0x53: {  	s3 =	simm.s32 $0xA280;
	s28 =	sadd.s32 $0x30, s0  }
0x54: {  	[hbm4b:s28+s4] =	stream.linear.scatter [tilespmem:s3], [sflag:$0x1], $0x80, $0x38;
	[tilespmem:$0x1C000] =	vst v63  }
0x55: {  	s3 =	simm.s32 $0xD880;
	s28 =	sadd.s32 $0x40, s0  }
0x56: {  	[hbm4b:s28+s4] =	stream.linear.scatter [tilespmem:s3], [sflag:$0x1], $0x80, $0x38;
	[tilespmem:$0x1C000] =	vst v63  }
0x57: {  	s30 =	simm.s32 $0x17A80;
	s3 =	simm.s32 $0x10E80;
	s28 =	sadd.s32 $0x50, s0  }
0x58: {  	[hbm4b:s28+s4] =	stream.linear.scatter [tilespmem:s3], [sflag:$0x1], $0x80, $0x38;
	[tilespmem:$0x1C000] =	vst v63  }
0x59: {  	s29 =	simm.s32 $0x1000;
	s3 =	simm.s32 $0x14480;
	s28 =	sadd.s32 $0x60, s0  }
0x5a: {  	[hbm4b:s28+s4] =	stream.linear.scatter [tilespmem:s3], [sflag:$0x1], $0x80, $0x38;
	[tilespmem:$0x1C000] =	vst v63  }
0x5b: {  	s26 =	simm.s32 $0x200;
	s31 =	sadd.s32 $0x70, s0;
	s28 =	sadd.s32 $0x80, s0  }
.LBB2_5:
0x5c: {  	[hbm4b:s31+s4] =	stream.linear.scatter [tilespmem:s30], [sflag:$0x1], $0x80, $0x38;
	[tilespmem:$0x1C000] =	vst v63  }
0x5d: {  	s0 =	smov.u32 s26;
	s26 =	smov.u32 s29  }
0x5e: {  	s3 =	sadd.s32 $0x800, s29;
	s26 =	sshra.s32 s26, $0x2;
	s30 =	sadd.s32 $0x80, s0  }
0x5f: {  	[hbm4b:s28+s4] =	stream.linear.scatter [tilespmem:s30], [sflag:$0x1], $0x80, $0x38;
	[tilespmem:$0x1C000] =	vst v63  }
0x60: {  	p1 =	sne.s32 s29, $0xD000;
	s29 =	sadd.s32 $0x3680, s0;
	s30 =	sadd.s32 $0x10, s28  }
0x61: {  	[hbm4b:s30+s4] =	stream.linear.scatter [tilespmem:s29], [sflag:$0x1], $0x80, $0x38;
	[tilespmem:$0x1C000] =	vst v63  }
0x62: {  	s29 =	sadd.s32 $0x6C80, s0;
	s30 =	sadd.s32 $0x20, s28  }
0x63: {  	[hbm4b:s30+s4] =	stream.linear.scatter [tilespmem:s29], [sflag:$0x1], $0x80, $0x38;
	[tilespmem:$0x1C000] =	vst v63  }
0x64: {  	s29 =	sadd.s32 $0xA280, s0;
	s30 =	sadd.s32 $0x30, s28  }
0x65: {  	[hbm4b:s30+s4] =	stream.linear.scatter [tilespmem:s29], [sflag:$0x1], $0x80, $0x38;
	[tilespmem:$0x1C000] =	vst v63  }
0x66: {  	s29 =	sadd.s32 $0xD880, s0;
	s30 =	sadd.s32 $0x40, s28  }
0x67: {  	[hbm4b:s30+s4] =	stream.linear.scatter [tilespmem:s29], [sflag:$0x1], $0x80, $0x38;
	[tilespmem:$0x1C000] =	vst v63  }
.Ltmp3:
0x68: {  	s29 =	sadd.s32 $0x10E80, s0;
	s30 =	sadd.s32 $0x50, s28;
	(pc) =	sbr.rel @p1 .LBB2_5-.Ltmp3, $4  }
0x69: {  	[hbm4b:s30+s4] =	stream.linear.scatter [tilespmem:s29], [sflag:$0x1], $0x80, $0x38;
	[tilespmem:$0x1C000] =	vst v63  }
0x6a: {  	s31 =	sadd.s32 $0x70, s28;
	s29 =	sadd.s32 $0x14480, s0;
	s30 =	sadd.s32 $0x60, s28  }
0x6b: {  	[hbm4b:s30+s4] =	stream.linear.scatter [tilespmem:s29], [sflag:$0x1], $0x80, $0x38;
	[tilespmem:$0x1C000] =	vst v63  }
0x6c: {  	s28 =	sadd.s32 $0x80, s28;
	s30 =	sadd.s32 $0x17A80, s0;
	s29 =	smov.u32 s3  }
0x6d: {  	[hbm4b:s31+s4] =	stream.linear.scatter [tilespmem:s30], [sflag:$0x1], $0x80, $0x38;
	[tilespmem:$0x1C000] =	vst v63  }
0x6e: {  	s0 =	sadd.s32 $0x80, s26  }
0x6f: {  	[hbm4b:s28+s4] =	stream.linear.scatter [tilespmem:s0], [sflag:$0x1], $0x80, $0x38;
	[tilespmem:$0x1C000] =	vst v63  }
0x70: {  	s31 =	sadd.s32 $0x3680, s26;
	s3 =	sadd.s32 $0x10, s28  }
0x71: {  	[hbm4b:s3+s4] =	stream.linear.scatter [tilespmem:s31], [sflag:$0x1], $0x80, $0x38;
	[tilespmem:$0x1C000] =	vst v63  }
0x72: {  	s3 =	sadd.s32 $0x6C80, s26;
	s31 =	sadd.s32 $0x20, s28  }
0x73: {  	[hbm4b:s31+s4] =	stream.linear.scatter [tilespmem:s3], [sflag:$0x1], $0x80, $0x38;
	[tilespmem:$0x1C000] =	vst v63  }
0x74: {  	s3 =	sadd.s32 $0xA280, s26;
	s31 =	sadd.s32 $0x30, s28  }
0x75: {  	[hbm4b:s31+s4] =	stream.linear.scatter [tilespmem:s3], [sflag:$0x1], $0x80, $0x38;
	[tilespmem:$0x1C000] =	vst v63  }
0x76: {  	s3 =	sadd.s32 $0xD880, s26;
	s31 =	sadd.s32 $0x40, s28  }
0x77: {  	[hbm4b:s31+s4] =	stream.linear.scatter [tilespmem:s3], [sflag:$0x1], $0x80, $0x38;
	[tilespmem:$0x1C000] =	vst v63  }
0x78: {  	s3 =	sadd.s32 $0x10E80, s26;
	s31 =	sadd.s32 $0x50, s28  }
0x79: {  	[hbm4b:s31+s4] =	stream.linear.scatter [tilespmem:s3], [sflag:$0x1], $0x80, $0x38;
	[tilespmem:$0x1C000] =	vst v63  }
0x7a: {  	s3 =	sadd.s32 $0x14480, s26;
	s31 =	sadd.s32 $0x60, s28  }
0x7b: {  	[hbm4b:s31+s4] =	stream.linear.scatter [tilespmem:s3], [sflag:$0x1], $0x80, $0x38;
	[tilespmem:$0x1C000] =	vst v63  }
0x7c: {  	s26 =	sadd.s32 $0x17A80, s26;
	s31 =	sadd.s32 $0x70, s28  }
0x7d: {  	[hbm4b:s31+s4] =	stream.linear.scatter [tilespmem:s26], [sflag:$0x1], $0x80, $0x38;
	[tilespmem:$0x1C000] =	vst v63  }
0x7e: {  	s3 =	sadd.s32 $0xF42800, s25;
	_ =	swait.ge [sflag:s18], $0x6C00  }
0x7f: {  	s0 =	sshrl.u32 s3, $0x3;
	[sflag:s18] =	ssyncset.done $0x0  }
0x80: {  	s25 =	simm.s32 $0x100;
	s0 =	sadd.s32 s2, s0;
	[sflag:s18] =	ssyncadd.s32 $0xFFFF9400  }
0x81: {  	[hbm4b:s0+s4] =	stream.linear.scatter [tilespmem:s25], [sflag:$0x1], $0x80, $0x38;
	[tilespmem:$0x1C000] =	vst v63  }
0x82: {  	s26 =	simm.s32 $0x3700;
	s31 =	sadd.s32 $0x10, s0  }
0x83: {  	[hbm4b:s31+s4] =	stream.linear.scatter [tilespmem:s26], [sflag:$0x1], $0x80, $0x38;
	[tilespmem:$0x1C000] =	vst v63  }
0x84: {  	s26 =	simm.s32 $0x6D00;
	s31 =	sadd.s32 $0x20, s0  }
0x85: {  	[hbm4b:s31+s4] =	stream.linear.scatter [tilespmem:s26], [sflag:$0x1], $0x80, $0x38;
	[tilespmem:$0x1C000] =	vst v63  }
0x86: {  	s26 =	simm.s32 $0xA300;
	s31 =	sadd.s32 $0x30, s0  }
0x87: {  	[hbm4b:s31+s4] =	stream.linear.scatter [tilespmem:s26], [sflag:$0x1], $0x80, $0x38;
	[tilespmem:$0x1C000] =	vst v63  }
0x88: {  	s26 =	simm.s32 $0xD900;
	s31 =	sadd.s32 $0x40, s0  }
0x89: {  	[hbm4b:s31+s4] =	stream.linear.scatter [tilespmem:s26], [sflag:$0x1], $0x80, $0x38;
	[tilespmem:$0x1C000] =	vst v63  }
0x8a: {  	s29 =	simm.s32 $0x17B00;
	s26 =	simm.s32 $0x10F00;
	s31 =	sadd.s32 $0x50, s0  }
0x8b: {  	[hbm4b:s31+s4] =	stream.linear.scatter [tilespmem:s26], [sflag:$0x1], $0x80, $0x38;
	[tilespmem:$0x1C000] =	vst v63  }
0x8c: {  	s28 =	simm.s32 $0x1000;
	s26 =	simm.s32 $0x14500;
	s31 =	sadd.s32 $0x60, s0  }
0x8d: {  	[hbm4b:s31+s4] =	stream.linear.scatter [tilespmem:s26], [sflag:$0x1], $0x80, $0x38;
	[tilespmem:$0x1C000] =	vst v63  }
0x8e: {  	s30 =	sadd.s32 $0x70, s0;
	s25 =	simm.s32 $0x200;
	s26 =	sadd.s32 $0x80, s0  }
.LBB2_7:
0x8f: {  	[hbm4b:s30+s4] =	stream.linear.scatter [tilespmem:s29], [sflag:$0x1], $0x80, $0x38;
	[tilespmem:$0x1C000] =	vst v63  }
0x90: {  	s0 =	smov.u32 s25;
	s3 =	smov.u32 s28  }
0x91: {  	s25 =	sshra.s32 s3, $0x2;
	s3 =	sadd.s32 $0x800, s28;
	s29 =	sadd.s32 $0x100, s0  }
0x92: {  	[hbm4b:s26+s4] =	stream.linear.scatter [tilespmem:s29], [sflag:$0x1], $0x80, $0x38;
	[tilespmem:$0x1C000] =	vst v63  }
0x93: {  	p1 =	sne.s32 s28, $0xD000;
	s28 =	sadd.s32 $0x3700, s0;
	s29 =	sadd.s32 $0x10, s26  }
0x94: {  	[hbm4b:s29+s4] =	stream.linear.scatter [tilespmem:s28], [sflag:$0x1], $0x80, $0x38;
	[tilespmem:$0x1C000] =	vst v63  }
0x95: {  	s28 =	sadd.s32 $0x6D00, s0;
	s29 =	sadd.s32 $0x20, s26  }
0x96: {  	[hbm4b:s29+s4] =	stream.linear.scatter [tilespmem:s28], [sflag:$0x1], $0x80, $0x38;
	[tilespmem:$0x1C000] =	vst v63  }
0x97: {  	s28 =	sadd.s32 $0xA300, s0;
	s29 =	sadd.s32 $0x30, s26  }
0x98: {  	[hbm4b:s29+s4] =	stream.linear.scatter [tilespmem:s28], [sflag:$0x1], $0x80, $0x38;
	[tilespmem:$0x1C000] =	vst v63  }
0x99: {  	s28 =	sadd.s32 $0xD900, s0;
	s29 =	sadd.s32 $0x40, s26  }
0x9a: {  	[hbm4b:s29+s4] =	stream.linear.scatter [tilespmem:s28], [sflag:$0x1], $0x80, $0x38;
	[tilespmem:$0x1C000] =	vst v63  }
.Ltmp4:
0x9b: {  	s28 =	sadd.s32 $0x10F00, s0;
	s29 =	sadd.s32 $0x50, s26;
	(pc) =	sbr.rel @p1 .LBB2_7-.Ltmp4, $4  }
0x9c: {  	[hbm4b:s29+s4] =	stream.linear.scatter [tilespmem:s28], [sflag:$0x1], $0x80, $0x38;
	[tilespmem:$0x1C000] =	vst v63  }
0x9d: {  	s30 =	sadd.s32 $0x70, s26;
	s28 =	sadd.s32 $0x14500, s0;
	s29 =	sadd.s32 $0x60, s26  }
0x9e: {  	[hbm4b:s29+s4] =	stream.linear.scatter [tilespmem:s28], [sflag:$0x1], $0x80, $0x38;
	[tilespmem:$0x1C000] =	vst v63  }
0x9f: {  	s26 =	sadd.s32 $0x80, s26;
	s29 =	sadd.s32 $0x17B00, s0;
	s28 =	smov.u32 s3  }
0xa0: {  	[hbm4b:s30+s4] =	stream.linear.scatter [tilespmem:s29], [sflag:$0x1], $0x80, $0x38;
	[tilespmem:$0x1C000] =	vst v63  }
0xa1: {  	s0 =	sadd.s32 $0x100, s25  }
0xa2: {  	[hbm4b:s26+s4] =	stream.linear.scatter [tilespmem:s0], [sflag:$0x1], $0x80, $0x38;
	[tilespmem:$0x1C000] =	vst v63  }
0xa3: {  	s31 =	sadd.s32 $0x3700, s25;
	s3 =	sadd.s32 $0x10, s26  }
0xa4: {  	[hbm4b:s3+s4] =	stream.linear.scatter [tilespmem:s31], [sflag:$0x1], $0x80, $0x38;
	[tilespmem:$0x1C000] =	vst v63  }
0xa5: {  	s28 =	sadd.s32 $0x6D00, s25;
	s29 =	sadd.s32 $0x20, s26  }
0xa6: {  	[hbm4b:s29+s4] =	stream.linear.scatter [tilespmem:s28], [sflag:$0x1], $0x80, $0x38;
	[tilespmem:$0x1C000] =	vst v63  }
0xa7: {  	s30 =	sadd.s32 $0xA300, s25;
	s31 =	sadd.s32 $0x30, s26  }
0xa8: {  	[hbm4b:s31+s4] =	stream.linear.scatter [tilespmem:s30], [sflag:$0x1], $0x80, $0x38;
	[tilespmem:$0x1C000] =	vst v63  }
0xa9: {  	s28 =	sadd.s32 $0xD900, s25;
	s29 =	sadd.s32 $0x40, s26  }
0xaa: {  	[hbm4b:s29+s4] =	stream.linear.scatter [tilespmem:s28], [sflag:$0x1], $0x80, $0x38;
	[tilespmem:$0x1C000] =	vst v63  }
0xab: {  	s24 =	sadd.s32 $0x1, s24;
	s30 =	sadd.s32 $0x10F00, s25;
	s31 =	sadd.s32 $0x50, s26  }
0xac: {  	[hbm4b:s31+s4] =	stream.linear.scatter [tilespmem:s30], [sflag:$0x1], $0x80, $0x38;
	[tilespmem:$0x1C000] =	vst v63  }
0xad: {  	p1 =	sne.s32 s24, s14;
	s28 =	sadd.s32 $0x14500, s25;
	s29 =	sadd.s32 $0x60, s26  }
0xae: {  	[hbm4b:s29+s4] =	stream.linear.scatter [tilespmem:s28], [sflag:$0x1], $0x80, $0x38;
	[tilespmem:$0x1C000] =	vst v63  }
.Ltmp5:
0xaf: {  	s30 =	sadd.s32 $0x17B00, s25;
	s31 =	sadd.s32 $0x70, s26;
	(pc) =	sbr.rel @p1 .LBB2_2-.Ltmp5, $4  }
0xb0: {  	[hbm4b:s31+s4] =	stream.linear.scatter [tilespmem:s30], [sflag:$0x1], $0x80, $0x38;
	[tilespmem:$0x1C000] =	vst v63  }
0xb1: {  	_ =	swait.ge [sflag:s18], $0x6C00  }
0xb2: {  	[sflag:s18] =	ssyncset.done $0x0  }
0xb3: {  	[sflag:s18] =	ssyncadd.s32 $0xFFFF9400  }
.Ltmp6:
0xb4: {  	(pc) =	sbr.rel @p0 .LBB2_17-.Ltmp6, $1  }
0xb5: {  	_ =	sdelay $0x3  }
0xb6: {  	s0 =	simm.s32 $0x0  }
0xb7: {  	[tilespmem:s0], [sflag:$0x1] =	stream.linear.gather [hbm4b:s6+s0], $0x1200, $0x38;
	[tilespmem:$0x1C000] =	vst v63  }
0xb8: {  	s3 =	sadd.s32 $0x7A140, s6  }
0xb9: {  	[tilespmem:s16], [sflag:$0x1] =	stream.linear.gather [hbm4b:s3+s0], $0x1200, $0x38;
	[tilespmem:$0x1C000] =	vst v63  }
0xba: {  	s26 =	sadd.s32 $0xF4280, s6;
	s24 =	simm.s32 $0x6C00  }
0xbb: {  	[tilespmem:s24], [sflag:$0x1] =	stream.linear.gather [hbm4b:s26+s0], $0x1200, $0x38;
	[tilespmem:$0x1C000] =	vst v63  }
0xbc: {  	s30 =	sadd.s32 $0x16E3C0, s6;
	s31 =	simm.s32 $0xA200  }
0xbd: {  	[tilespmem:s31], [sflag:$0x1] =	stream.linear.gather [hbm4b:s30+s0], $0x1200, $0x38;
	[tilespmem:$0x1C000] =	vst v63  }
0xbe: {  	s25 =	sadd.s32 $0x1E8500, s6;
	s26 =	simm.s32 $0xD800  }
0xbf: {  	[tilespmem:s26], [sflag:$0x1] =	stream.linear.gather [hbm4b:s25+s0], $0x1200, $0x38;
	[tilespmem:$0x1C000] =	vst v63  }
0xc0: {  	s30 =	sadd.s32 $0x262640, s6;
	s31 =	simm.s32 $0x10E00  }
0xc1: {  	[tilespmem:s31], [sflag:$0x1] =	stream.linear.gather [hbm4b:s30+s0], $0x1200, $0x38;
	[tilespmem:$0x1C000] =	vst v63  }
0xc2: {  	s24 =	sadd.s32 $0x2DC780, s6;
	s25 =	simm.s32 $0x14400  }
0xc3: {  	[tilespmem:s25], [sflag:$0x1] =	stream.linear.gather [hbm4b:s24+s0], $0x1200, $0x38;
	[tilespmem:$0x1C000] =	vst v63  }
0xc4: {  	s26 =	sadd.s32 $0x3568C0, s6;
	s30 =	simm.s32 $0x17A00  }
0xc5: {  	[tilespmem:s30], [sflag:$0x1] =	stream.linear.gather [hbm4b:s26+s0], $0x1200, $0x38;
	[tilespmem:$0x1C000] =	vst v63  }
0xc6: {  	_ =	swait.ge [sflag:s18], $0x9000  }
0xc7: {  	[sflag:s18] =	ssyncset.done $0x0  }
0xc8: {  	s31 =	simm.s32 $0x180;
	[sflag:s18] =	ssyncadd.s32 $0xFFFF7000  }
0xc9: {  	[hbm4b:s7+s4] =	stream.linear.scatter [tilespmem:s31], [sflag:$0x1], $0x80, $0x38;
	[tilespmem:$0x1C000] =	vst v63  }
0xca: {  	s3 =	simm.s32 $0x3780;
	s24 =	sadd.s32 $0x10, s7  }
0xcb: {  	[hbm4b:s24+s4] =	stream.linear.scatter [tilespmem:s3], [sflag:$0x1], $0x80, $0x38;
	[tilespmem:$0x1C000] =	vst v63  }
0xcc: {  	s28 =	simm.s32 $0x17B80;
	s25 =	simm.s32 $0x6D80;
	s26 =	sadd.s32 $0x20, s7  }
0xcd: {  	[hbm4b:s26+s4] =	stream.linear.scatter [tilespmem:s25], [sflag:$0x1], $0x80, $0x38;
	[tilespmem:$0x1C000] =	vst v63  }
0xce: {  	s29 =	sadd.s32 $0x70, s7;
	s30 =	simm.s32 $0xA380;
	s31 =	sadd.s32 $0x30, s7  }
0xcf: {  	[hbm4b:s31+s4] =	stream.linear.scatter [tilespmem:s30], [sflag:$0x1], $0x80, $0x38;
	[tilespmem:$0x1C000] =	vst v63  }
0xd0: {  	s3 =	simm.s32 $0xD980;
	s24 =	sadd.s32 $0x40, s7;
	s25 =	simm.s32 $0x10F80  }
0xd1: {  	[hbm4b:s24+s4] =	stream.linear.scatter [tilespmem:s3], [sflag:$0x1], $0x80, $0x38;
	[tilespmem:$0x1C000] =	vst v63  }
0xd2: {  	s26 =	sadd.s32 $0x50, s7;
	s30 =	simm.s32 $0x14580;
	s31 =	sadd.s32 $0x60, s7  }
0xd3: {  	[hbm4b:s26+s4] =	stream.linear.scatter [tilespmem:s25], [sflag:$0x1], $0x80, $0x38;
	[tilespmem:$0x1C000] =	vst v63  }
0xd4: {  	s24 =	simm.s32 $0x200;
	s26 =	simm.s32 $0x1000;
	s25 =	sadd.s32 $0x80, s7  }
0xd5: {  	[hbm4b:s31+s4] =	stream.linear.scatter [tilespmem:s30], [sflag:$0x1], $0x80, $0x38;
	[tilespmem:$0x1C000] =	vst v63  }
.LBB2_11:
0xd6: {  	[hbm4b:s29+s4] =	stream.linear.scatter [tilespmem:s28], [sflag:$0x1], $0x80, $0x38;
	[tilespmem:$0x1C000] =	vst v63  }
0xd7: {  	s0 =	smov.u32 s24;
	s3 =	smov.u32 s26  }
0xd8: {  	s24 =	sshra.s32 s3, $0x2;
	s3 =	sadd.s32 $0x800, s26;
	s28 =	sadd.s32 $0x180, s0  }
0xd9: {  	[hbm4b:s25+s4] =	stream.linear.scatter [tilespmem:s28], [sflag:$0x1], $0x80, $0x38;
	[tilespmem:$0x1C000] =	vst v63  }
0xda: {  	p1 =	sne.s32 s26, $0x4000;
	s26 =	sadd.s32 $0x3780, s0;
	s28 =	sadd.s32 $0x10, s25  }
0xdb: {  	[hbm4b:s28+s4] =	stream.linear.scatter [tilespmem:s26], [sflag:$0x1], $0x80, $0x38;
	[tilespmem:$0x1C000] =	vst v63  }
0xdc: {  	s26 =	sadd.s32 $0x6D80, s0;
	s28 =	sadd.s32 $0x20, s25  }
0xdd: {  	[hbm4b:s28+s4] =	stream.linear.scatter [tilespmem:s26], [sflag:$0x1], $0x80, $0x38;
	[tilespmem:$0x1C000] =	vst v63  }
0xde: {  	s26 =	sadd.s32 $0xA380, s0;
	s28 =	sadd.s32 $0x30, s25  }
0xdf: {  	[hbm4b:s28+s4] =	stream.linear.scatter [tilespmem:s26], [sflag:$0x1], $0x80, $0x38;
	[tilespmem:$0x1C000] =	vst v63  }
0xe0: {  	s26 =	sadd.s32 $0xD980, s0;
	s28 =	sadd.s32 $0x40, s25  }
0xe1: {  	[hbm4b:s28+s4] =	stream.linear.scatter [tilespmem:s26], [sflag:$0x1], $0x80, $0x38;
	[tilespmem:$0x1C000] =	vst v63  }
.Ltmp7:
0xe2: {  	s26 =	sadd.s32 $0x10F80, s0;
	s28 =	sadd.s32 $0x50, s25;
	(pc) =	sbr.rel @p1 .LBB2_11-.Ltmp7, $4  }
0xe3: {  	[hbm4b:s28+s4] =	stream.linear.scatter [tilespmem:s26], [sflag:$0x1], $0x80, $0x38;
	[tilespmem:$0x1C000] =	vst v63  }
0xe4: {  	s29 =	sadd.s32 $0x70, s25;
	s26 =	sadd.s32 $0x14580, s0;
	s28 =	sadd.s32 $0x60, s25  }
0xe5: {  	[hbm4b:s28+s4] =	stream.linear.scatter [tilespmem:s26], [sflag:$0x1], $0x80, $0x38;
	[tilespmem:$0x1C000] =	vst v63  }
0xe6: {  	s25 =	sadd.s32 $0x80, s25;
	s28 =	sadd.s32 $0x17B80, s0;
	s26 =	smov.u32 s3  }
0xe7: {  	[hbm4b:s29+s4] =	stream.linear.scatter [tilespmem:s28], [sflag:$0x1], $0x80, $0x38;
	[tilespmem:$0x1C000] =	vst v63  }
0xe8: {  	s0 =	sadd.s32 $0x180, s24  }
0xe9: {  	[hbm4b:s25+s4] =	stream.linear.scatter [tilespmem:s0], [sflag:$0x1], $0x80, $0x38;
	[tilespmem:$0x1C000] =	vst v63  }
0xea: {  	s26 =	sadd.s32 $0x3780, s24;
	s3 =	sadd.s32 $0x10, s25  }
0xeb: {  	[hbm4b:s3+s4] =	stream.linear.scatter [tilespmem:s26], [sflag:$0x1], $0x80, $0x38;
	[tilespmem:$0x1C000] =	vst v63  }
0xec: {  	s30 =	sadd.s32 $0x6D80, s24;
	s31 =	sadd.s32 $0x20, s25  }
0xed: {  	[hbm4b:s31+s4] =	stream.linear.scatter [tilespmem:s30], [sflag:$0x1], $0x80, $0x38;
	[tilespmem:$0x1C000] =	vst v63  }
0xee: {  	s3 =	sadd.s32 $0xA380, s24;
	s26 =	sadd.s32 $0x30, s25  }
0xef: {  	[hbm4b:s26+s4] =	stream.linear.scatter [tilespmem:s3], [sflag:$0x1], $0x80, $0x38;
	[tilespmem:$0x1C000] =	vst v63  }
0xf0: {  	s30 =	sadd.s32 $0xD980, s24;
	s31 =	sadd.s32 $0x40, s25  }
0xf1: {  	[hbm4b:s31+s4] =	stream.linear.scatter [tilespmem:s30], [sflag:$0x1], $0x80, $0x38;
	[tilespmem:$0x1C000] =	vst v63  }
0xf2: {  	s3 =	sadd.s32 $0x10F80, s24;
	s26 =	sadd.s32 $0x50, s25  }
0xf3: {  	[hbm4b:s26+s4] =	stream.linear.scatter [tilespmem:s3], [sflag:$0x1], $0x80, $0x38;
	[tilespmem:$0x1C000] =	vst v63  }
0xf4: {  	s30 =	sadd.s32 $0x14580, s24;
	s31 =	sadd.s32 $0x60, s25  }
0xf5: {  	[hbm4b:s31+s4] =	stream.linear.scatter [tilespmem:s30], [sflag:$0x1], $0x80, $0x38;
	[tilespmem:$0x1C000] =	vst v63  }
0xf6: {  	s26 =	sadd.s32 $0x17B80, s24;
	s30 =	sadd.s32 $0x70, s25  }
0xf7: {  	[hbm4b:s30+s4] =	stream.linear.scatter [tilespmem:s26], [sflag:$0x1], $0x80, $0x38;
	[tilespmem:$0x1C000] =	vst v63  }
0xf8: {  	_ =	swait.ge [sflag:s18], $0x2400  }
0xf9: {  	[sflag:s18] =	ssyncset.done $0x0  }
0xfa: {  	s31 =	simm.s32 $0x80;
	[sflag:s18] =	ssyncadd.s32 $0xFFFFDC00  }
0xfb: {  	[hbm4b:s9+s4] =	stream.linear.scatter [tilespmem:s31], [sflag:$0x1], $0x80, $0x38;
	[tilespmem:$0x1C000] =	vst v63  }
0xfc: {  	s3 =	simm.s32 $0x3680;
	s24 =	sadd.s32 $0x10, s9  }
0xfd: {  	[hbm4b:s24+s4] =	stream.linear.scatter [tilespmem:s3], [sflag:$0x1], $0x80, $0x38;
	[tilespmem:$0x1C000] =	vst v63  }
0xfe: {  	s28 =	simm.s32 $0x17A80;
	s25 =	simm.s32 $0x6C80;
	s26 =	sadd.s32 $0x20, s9  }
0xff: {  	[hbm4b:s26+s4] =	stream.linear.scatter [tilespmem:s25], [sflag:$0x1], $0x80, $0x38;
	[tilespmem:$0x1C000] =	vst v63  }
0x100: {  	s29 =	sadd.s32 $0x70, s9;
	s30 =	simm.s32 $0xA280;
	s31 =	sadd.s32 $0x30, s9  }
0x101: {  	[hbm4b:s31+s4] =	stream.linear.scatter [tilespmem:s30], [sflag:$0x1], $0x80, $0x38;
	[tilespmem:$0x1C000] =	vst v63  }
0x102: {  	s3 =	simm.s32 $0xD880;
	s24 =	sadd.s32 $0x40, s9;
	s25 =	simm.s32 $0x10E80  }
0x103: {  	[hbm4b:s24+s4] =	stream.linear.scatter [tilespmem:s3], [sflag:$0x1], $0x80, $0x38;
	[tilespmem:$0x1C000] =	vst v63  }
0x104: {  	s26 =	sadd.s32 $0x50, s9;
	s30 =	simm.s32 $0x14480;
	s31 =	sadd.s32 $0x60, s9  }
0x105: {  	[hbm4b:s26+s4] =	stream.linear.scatter [tilespmem:s25], [sflag:$0x1], $0x80, $0x38;
	[tilespmem:$0x1C000] =	vst v63  }
0x106: {  	s24 =	simm.s32 $0x200;
	s26 =	simm.s32 $0x1000;
	s25 =	sadd.s32 $0x80, s9  }
0x107: {  	[hbm4b:s31+s4] =	stream.linear.scatter [tilespmem:s30], [sflag:$0x1], $0x80, $0x38;
	[tilespmem:$0x1C000] =	vst v63  }
.LBB2_13:
0x108: {  	[hbm4b:s29+s4] =	stream.linear.scatter [tilespmem:s28], [sflag:$0x1], $0x80, $0x38;
	[tilespmem:$0x1C000] =	vst v63  }
0x109: {  	s0 =	smov.u32 s24;
	s3 =	smov.u32 s26  }
0x10a: {  	s24 =	sshra.s32 s3, $0x2;
	s3 =	sadd.s32 $0x800, s26;
	s28 =	sadd.s32 $0x80, s0  }
0x10b: {  	[hbm4b:s25+s4] =	stream.linear.scatter [tilespmem:s28], [sflag:$0x1], $0x80, $0x38;
	[tilespmem:$0x1C000] =	vst v63  }
0x10c: {  	p1 =	sne.s32 s26, $0x4000;
	s26 =	sadd.s32 $0x3680, s0;
	s28 =	sadd.s32 $0x10, s25  }
0x10d: {  	[hbm4b:s28+s4] =	stream.linear.scatter [tilespmem:s26], [sflag:$0x1], $0x80, $0x38;
	[tilespmem:$0x1C000] =	vst v63  }
0x10e: {  	s26 =	sadd.s32 $0x6C80, s0;
	s28 =	sadd.s32 $0x20, s25  }
0x10f: {  	[hbm4b:s28+s4] =	stream.linear.scatter [tilespmem:s26], [sflag:$0x1], $0x80, $0x38;
	[tilespmem:$0x1C000] =	vst v63  }
0x110: {  	s26 =	sadd.s32 $0xA280, s0;
	s28 =	sadd.s32 $0x30, s25  }
0x111: {  	[hbm4b:s28+s4] =	stream.linear.scatter [tilespmem:s26], [sflag:$0x1], $0x80, $0x38;
	[tilespmem:$0x1C000] =	vst v63  }
0x112: {  	s26 =	sadd.s32 $0xD880, s0;
	s28 =	sadd.s32 $0x40, s25  }
0x113: {  	[hbm4b:s28+s4] =	stream.linear.scatter [tilespmem:s26], [sflag:$0x1], $0x80, $0x38;
	[tilespmem:$0x1C000] =	vst v63  }
.Ltmp8:
0x114: {  	s26 =	sadd.s32 $0x10E80, s0;
	s28 =	sadd.s32 $0x50, s25;
	(pc) =	sbr.rel @p1 .LBB2_13-.Ltmp8, $4  }
0x115: {  	[hbm4b:s28+s4] =	stream.linear.scatter [tilespmem:s26], [sflag:$0x1], $0x80, $0x38;
	[tilespmem:$0x1C000] =	vst v63  }
0x116: {  	s29 =	sadd.s32 $0x70, s25;
	s26 =	sadd.s32 $0x14480, s0;
	s28 =	sadd.s32 $0x60, s25  }
0x117: {  	[hbm4b:s28+s4] =	stream.linear.scatter [tilespmem:s26], [sflag:$0x1], $0x80, $0x38;
	[tilespmem:$0x1C000] =	vst v63  }
0x118: {  	s25 =	sadd.s32 $0x80, s25;
	s28 =	sadd.s32 $0x17A80, s0;
	s26 =	smov.u32 s3  }
0x119: {  	[hbm4b:s29+s4] =	stream.linear.scatter [tilespmem:s28], [sflag:$0x1], $0x80, $0x38;
	[tilespmem:$0x1C000] =	vst v63  }
0x11a: {  	s0 =	sadd.s32 $0x80, s24  }
0x11b: {  	[hbm4b:s25+s4] =	stream.linear.scatter [tilespmem:s0], [sflag:$0x1], $0x80, $0x38;
	[tilespmem:$0x1C000] =	vst v63  }
0x11c: {  	s26 =	sadd.s32 $0x3680, s24;
	s3 =	sadd.s32 $0x10, s25  }
0x11d: {  	[hbm4b:s3+s4] =	stream.linear.scatter [tilespmem:s26], [sflag:$0x1], $0x80, $0x38;
	[tilespmem:$0x1C000] =	vst v63  }
0x11e: {  	s30 =	sadd.s32 $0x6C80, s24;
	s31 =	sadd.s32 $0x20, s25  }
0x11f: {  	[hbm4b:s31+s4] =	stream.linear.scatter [tilespmem:s30], [sflag:$0x1], $0x80, $0x38;
	[tilespmem:$0x1C000] =	vst v63  }
0x120: {  	s3 =	sadd.s32 $0xA280, s24;
	s26 =	sadd.s32 $0x30, s25  }
0x121: {  	[hbm4b:s26+s4] =	stream.linear.scatter [tilespmem:s3], [sflag:$0x1], $0x80, $0x38;
	[tilespmem:$0x1C000] =	vst v63  }
0x122: {  	s30 =	sadd.s32 $0xD880, s24;
	s31 =	sadd.s32 $0x40, s25  }
0x123: {  	[hbm4b:s31+s4] =	stream.linear.scatter [tilespmem:s30], [sflag:$0x1], $0x80, $0x38;
	[tilespmem:$0x1C000] =	vst v63  }
0x124: {  	s3 =	sadd.s32 $0x10E80, s24;
	s26 =	sadd.s32 $0x50, s25  }
0x125: {  	[hbm4b:s26+s4] =	stream.linear.scatter [tilespmem:s3], [sflag:$0x1], $0x80, $0x38;
	[tilespmem:$0x1C000] =	vst v63  }
0x126: {  	s30 =	sadd.s32 $0x14480, s24;
	s31 =	sadd.s32 $0x60, s25  }
0x127: {  	[hbm4b:s31+s4] =	stream.linear.scatter [tilespmem:s30], [sflag:$0x1], $0x80, $0x38;
	[tilespmem:$0x1C000] =	vst v63  }
0x128: {  	s26 =	sadd.s32 $0x17A80, s24;
	s30 =	sadd.s32 $0x70, s25  }
0x129: {  	[hbm4b:s30+s4] =	stream.linear.scatter [tilespmem:s26], [sflag:$0x1], $0x80, $0x38;
	[tilespmem:$0x1C000] =	vst v63  }
0x12a: {  	_ =	swait.ge [sflag:s18], $0x2400  }
0x12b: {  	[sflag:s18] =	ssyncset.done $0x0  }
0x12c: {  	s31 =	simm.s32 $0x100;
	[sflag:s18] =	ssyncadd.s32 $0xFFFFDC00  }
0x12d: {  	[hbm4b:s8+s4] =	stream.linear.scatter [tilespmem:s31], [sflag:$0x1], $0x80, $0x38;
	[tilespmem:$0x1C000] =	vst v63  }
0x12e: {  	s3 =	simm.s32 $0x3700;
	s24 =	sadd.s32 $0x10, s8  }
0x12f: {  	[hbm4b:s24+s4] =	stream.linear.scatter [tilespmem:s3], [sflag:$0x1], $0x80, $0x38;
	[tilespmem:$0x1C000] =	vst v63  }
0x130: {  	s28 =	simm.s32 $0x17B00;
	s25 =	simm.s32 $0x6D00;
	s26 =	sadd.s32 $0x20, s8  }
0x131: {  	[hbm4b:s26+s4] =	stream.linear.scatter [tilespmem:s25], [sflag:$0x1], $0x80, $0x38;
	[tilespmem:$0x1C000] =	vst v63  }
0x132: {  	s29 =	sadd.s32 $0x70, s8;
	s30 =	simm.s32 $0xA300;
	s31 =	sadd.s32 $0x30, s8  }
0x133: {  	[hbm4b:s31+s4] =	stream.linear.scatter [tilespmem:s30], [sflag:$0x1], $0x80, $0x38;
	[tilespmem:$0x1C000] =	vst v63  }
0x134: {  	s3 =	simm.s32 $0xD900;
	s24 =	sadd.s32 $0x40, s8;
	s25 =	simm.s32 $0x10F00  }
0x135: {  	[hbm4b:s24+s4] =	stream.linear.scatter [tilespmem:s3], [sflag:$0x1], $0x80, $0x38;
	[tilespmem:$0x1C000] =	vst v63  }
0x136: {  	s26 =	sadd.s32 $0x50, s8;
	s30 =	simm.s32 $0x14500;
	s31 =	sadd.s32 $0x60, s8  }
0x137: {  	[hbm4b:s26+s4] =	stream.linear.scatter [tilespmem:s25], [sflag:$0x1], $0x80, $0x38;
	[tilespmem:$0x1C000] =	vst v63  }
0x138: {  	s24 =	simm.s32 $0x200;
	s26 =	simm.s32 $0x1000;
	s25 =	sadd.s32 $0x80, s8  }
0x139: {  	[hbm4b:s31+s4] =	stream.linear.scatter [tilespmem:s30], [sflag:$0x1], $0x80, $0x38;
	[tilespmem:$0x1C000] =	vst v63  }
.LBB2_15:
0x13a: {  	[hbm4b:s29+s4] =	stream.linear.scatter [tilespmem:s28], [sflag:$0x1], $0x80, $0x38;
	[tilespmem:$0x1C000] =	vst v63  }
0x13b: {  	s0 =	smov.u32 s24;
	s3 =	smov.u32 s26  }
0x13c: {  	s24 =	sshra.s32 s3, $0x2;
	s3 =	sadd.s32 $0x800, s26;
	s28 =	sadd.s32 $0x100, s0  }
0x13d: {  	[hbm4b:s25+s4] =	stream.linear.scatter [tilespmem:s28], [sflag:$0x1], $0x80, $0x38;
	[tilespmem:$0x1C000] =	vst v63  }
0x13e: {  	p1 =	sne.s32 s26, $0x4000;
	s26 =	sadd.s32 $0x3700, s0;
	s28 =	sadd.s32 $0x10, s25  }
0x13f: {  	[hbm4b:s28+s4] =	stream.linear.scatter [tilespmem:s26], [sflag:$0x1], $0x80, $0x38;
	[tilespmem:$0x1C000] =	vst v63  }
0x140: {  	s26 =	sadd.s32 $0x6D00, s0;
	s28 =	sadd.s32 $0x20, s25  }
0x141: {  	[hbm4b:s28+s4] =	stream.linear.scatter [tilespmem:s26], [sflag:$0x1], $0x80, $0x38;
	[tilespmem:$0x1C000] =	vst v63  }
0x142: {  	s26 =	sadd.s32 $0xA300, s0;
	s28 =	sadd.s32 $0x30, s25  }
0x143: {  	[hbm4b:s28+s4] =	stream.linear.scatter [tilespmem:s26], [sflag:$0x1], $0x80, $0x38;
	[tilespmem:$0x1C000] =	vst v63  }
0x144: {  	s26 =	sadd.s32 $0xD900, s0;
	s28 =	sadd.s32 $0x40, s25  }
0x145: {  	[hbm4b:s28+s4] =	stream.linear.scatter [tilespmem:s26], [sflag:$0x1], $0x80, $0x38;
	[tilespmem:$0x1C000] =	vst v63  }
.Ltmp9:
0x146: {  	s26 =	sadd.s32 $0x10F00, s0;
	s28 =	sadd.s32 $0x50, s25;
	(pc) =	sbr.rel @p1 .LBB2_15-.Ltmp9, $4  }
0x147: {  	[hbm4b:s28+s4] =	stream.linear.scatter [tilespmem:s26], [sflag:$0x1], $0x80, $0x38;
	[tilespmem:$0x1C000] =	vst v63  }
0x148: {  	s29 =	sadd.s32 $0x70, s25;
	s26 =	sadd.s32 $0x14500, s0;
	s28 =	sadd.s32 $0x60, s25  }
0x149: {  	[hbm4b:s28+s4] =	stream.linear.scatter [tilespmem:s26], [sflag:$0x1], $0x80, $0x38;
	[tilespmem:$0x1C000] =	vst v63  }
0x14a: {  	s25 =	sadd.s32 $0x80, s25;
	s28 =	sadd.s32 $0x17B00, s0;
	s26 =	smov.u32 s3  }
0x14b: {  	[hbm4b:s29+s4] =	stream.linear.scatter [tilespmem:s28], [sflag:$0x1], $0x80, $0x38;
	[tilespmem:$0x1C000] =	vst v63  }
0x14c: {  	s0 =	sadd.s32 $0x100, s24  }
0x14d: {  	[hbm4b:s25+s4] =	stream.linear.scatter [tilespmem:s0], [sflag:$0x1], $0x80, $0x38;
	[tilespmem:$0x1C000] =	vst v63  }
0x14e: {  	s26 =	sadd.s32 $0x3700, s24;
	s3 =	sadd.s32 $0x10, s25  }
0x14f: {  	[hbm4b:s3+s4] =	stream.linear.scatter [tilespmem:s26], [sflag:$0x1], $0x80, $0x38;
	[tilespmem:$0x1C000] =	vst v63  }
0x150: {  	s28 =	sadd.s32 $0x6D00, s24;
	s29 =	sadd.s32 $0x20, s25  }
0x151: {  	[hbm4b:s29+s4] =	stream.linear.scatter [tilespmem:s28], [sflag:$0x1], $0x80, $0x38;
	[tilespmem:$0x1C000] =	vst v63  }
0x152: {  	s30 =	sadd.s32 $0xA300, s24;
	s31 =	sadd.s32 $0x30, s25  }
0x153: {  	[hbm4b:s31+s4] =	stream.linear.scatter [tilespmem:s30], [sflag:$0x1], $0x80, $0x38;
	[tilespmem:$0x1C000] =	vst v63  }
0x154: {  	s3 =	sadd.s32 $0xD900, s24;
	s26 =	sadd.s32 $0x40, s25  }
0x155: {  	[hbm4b:s26+s4] =	stream.linear.scatter [tilespmem:s3], [sflag:$0x1], $0x80, $0x38;
	[tilespmem:$0x1C000] =	vst v63  }
0x156: {  	s28 =	sadd.s32 $0x10F00, s24;
	s29 =	sadd.s32 $0x50, s25  }
0x157: {  	[hbm4b:s29+s4] =	stream.linear.scatter [tilespmem:s28], [sflag:$0x1], $0x80, $0x38;
	[tilespmem:$0x1C000] =	vst v63  }
0x158: {  	s30 =	sadd.s32 $0x14500, s24;
	s31 =	sadd.s32 $0x60, s25  }
0x159: {  	[hbm4b:s31+s4] =	stream.linear.scatter [tilespmem:s30], [sflag:$0x1], $0x80, $0x38;
	[tilespmem:$0x1C000] =	vst v63  }
0x15a: {  	s24 =	sadd.s32 $0x17B00, s24;
	s25 =	sadd.s32 $0x70, s25  }
0x15b: {  	[hbm4b:s25+s4] =	stream.linear.scatter [tilespmem:s24], [sflag:$0x1], $0x80, $0x38;
	[tilespmem:$0x1C000] =	vst v63  }
0x15c: {  	_ =	swait.ge [sflag:s18], $0x2400  }
0x15d: {  	[sflag:s18] =	ssyncset.done $0x0  }
0x15e: {  	s26 =	simm.s32 $0x200;
	s28 =	simm.s32 $0x1B000;
	[sflag:s18] =	ssyncadd.s32 $0xFFFFDC00  }
0x15f: {  	[tilespmem:s28], [sflag:$0x1] =	stream.strided.gather [hbm4b:s10+s26], $0x1000, s17, s26, $0x38;
	[tilespmem:$0x1C000] =	vst v63  }
0x160: {  	_ =	swait.ge [sflag:s18], $0x1000  }
0x161: {  	[sflag:s18] =	ssyncset.done $0x0  }
0x162: {  	s29 =	simm.s32 $0x1B180;
	[sflag:s18] =	ssyncadd.s32 $0xFFFFF000  }
0x163: {  	[hbm4b:s12+s4] =	stream.linear.scatter [tilespmem:s29], [sflag:$0x1], $0x80, $0x38;
	[tilespmem:$0x1C000] =	vst v63  }
0x164: {  	s30 =	sadd.s32 $0x10, s12;
	s31 =	simm.s32 $0x1B380  }
0x165: {  	[hbm4b:s30+s4] =	stream.linear.scatter [tilespmem:s31], [sflag:$0x1], $0x80, $0x38;
	[tilespmem:$0x1C000] =	vst v63  }
0x166: {  	s3 =	sadd.s32 $0x20, s12;
	s24 =	simm.s32 $0x1B580  }
0x167: {  	[hbm4b:s3+s4] =	stream.linear.scatter [tilespmem:s24], [sflag:$0x1], $0x80, $0x38;
	[tilespmem:$0x1C000] =	vst v63  }
0x168: {  	s25 =	sadd.s32 $0x30, s12;
	s26 =	simm.s32 $0x1B780  }
0x169: {  	[hbm4b:s25+s4] =	stream.linear.scatter [tilespmem:s26], [sflag:$0x1], $0x80, $0x38;
	[tilespmem:$0x1C000] =	vst v63  }
0x16a: {  	s28 =	sadd.s32 $0x40, s12;
	s29 =	simm.s32 $0x1B980  }
0x16b: {  	[hbm4b:s28+s4] =	stream.linear.scatter [tilespmem:s29], [sflag:$0x1], $0x80, $0x38;
	[tilespmem:$0x1C000] =	vst v63  }
0x16c: {  	s30 =	sadd.s32 $0x50, s12;
	s31 =	simm.s32 $0x1BB80  }
0x16d: {  	[hbm4b:s30+s4] =	stream.linear.scatter [tilespmem:s31], [sflag:$0x1], $0x80, $0x38;
	[tilespmem:$0x1C000] =	vst v63  }
0x16e: {  	s24 =	sadd.s32 $0x60, s12;
	s25 =	simm.s32 $0x1BD80  }
0x16f: {  	[hbm4b:s24+s4] =	stream.linear.scatter [tilespmem:s25], [sflag:$0x1], $0x80, $0x38;
	[tilespmem:$0x1C000] =	vst v63  }
0x170: {  	s26 =	sadd.s32 $0x70, s12;
	s28 =	simm.s32 $0x1BF80  }
0x171: {  	[hbm4b:s26+s4] =	stream.linear.scatter [tilespmem:s28], [sflag:$0x1], $0x80, $0x38;
	[tilespmem:$0x1C000] =	vst v63  }
0x172: {  	_ =	swait.ge [sflag:s18], $0x400  }
0x173: {  	[sflag:s18] =	ssyncset.done $0x0  }
0x174: {  	s29 =	simm.s32 $0x1B080;
	[sflag:s18] =	ssyncadd.s32 $0xFFFFFC00  }
0x175: {  	[hbm4b:s11+s4] =	stream.linear.scatter [tilespmem:s29], [sflag:$0x1], $0x80, $0x38;
	[tilespmem:$0x1C000] =	vst v63  }
0x176: {  	s30 =	sadd.s32 $0x10, s11;
	s31 =	simm.s32 $0x1B280  }
0x177: {  	[hbm4b:s30+s4] =	stream.linear.scatter [tilespmem:s31], [sflag:$0x1], $0x80, $0x38;
	[tilespmem:$0x1C000] =	vst v63  }
0x178: {  	s3 =	sadd.s32 $0x20, s11;
	s24 =	simm.s32 $0x1B480  }
0x179: {  	[hbm4b:s3+s4] =	stream.linear.scatter [tilespmem:s24], [sflag:$0x1], $0x80, $0x38;
	[tilespmem:$0x1C000] =	vst v63  }
0x17a: {  	s25 =	sadd.s32 $0x30, s11;
	s26 =	simm.s32 $0x1B680  }
0x17b: {  	[hbm4b:s25+s4] =	stream.linear.scatter [tilespmem:s26], [sflag:$0x1], $0x80, $0x38;
	[tilespmem:$0x1C000] =	vst v63  }
0x17c: {  	s28 =	sadd.s32 $0x40, s11;
	s29 =	simm.s32 $0x1B880  }
0x17d: {  	[hbm4b:s28+s4] =	stream.linear.scatter [tilespmem:s29], [sflag:$0x1], $0x80, $0x38;
	[tilespmem:$0x1C000] =	vst v63  }
0x17e: {  	s30 =	sadd.s32 $0x50, s11;
	s31 =	simm.s32 $0x1BA80  }
0x17f: {  	[hbm4b:s30+s4] =	stream.linear.scatter [tilespmem:s31], [sflag:$0x1], $0x80, $0x38;
	[tilespmem:$0x1C000] =	vst v63  }
0x180: {  	s24 =	sadd.s32 $0x60, s11;
	s25 =	simm.s32 $0x1BC80  }
0x181: {  	[hbm4b:s24+s4] =	stream.linear.scatter [tilespmem:s25], [sflag:$0x1], $0x80, $0x38;
	[tilespmem:$0x1C000] =	vst v63  }
0x182: {  	s26 =	sadd.s32 $0x70, s11;
	s28 =	simm.s32 $0x1BE80  }
0x183: {  	[hbm4b:s26+s4] =	stream.linear.scatter [tilespmem:s28], [sflag:$0x1], $0x80, $0x38;
	[tilespmem:$0x1C000] =	vst v63  }
0x184: {  	_ =	swait.ge [sflag:s18], $0x400  }
0x185: {  	[sflag:s18] =	ssyncset.done $0x0  }
0x186: {  	s29 =	simm.s32 $0x1B100;
	[sflag:s18] =	ssyncadd.s32 $0xFFFFFC00  }
0x187: {  	[hbm4b:s13+s4] =	stream.linear.scatter [tilespmem:s29], [sflag:$0x1], $0x80, $0x38;
	[tilespmem:$0x1C000] =	vst v63  }
0x188: {  	s30 =	sadd.s32 $0x10, s13;
	s31 =	simm.s32 $0x1B300  }
0x189: {  	[hbm4b:s30+s4] =	stream.linear.scatter [tilespmem:s31], [sflag:$0x1], $0x80, $0x38;
	[tilespmem:$0x1C000] =	vst v63  }
0x18a: {  	s3 =	sadd.s32 $0x20, s13;
	s24 =	simm.s32 $0x1B500  }
0x18b: {  	[hbm4b:s3+s4] =	stream.linear.scatter [tilespmem:s24], [sflag:$0x1], $0x80, $0x38;
	[tilespmem:$0x1C000] =	vst v63  }
0x18c: {  	s25 =	sadd.s32 $0x30, s13;
	s26 =	simm.s32 $0x1B700  }
0x18d: {  	[hbm4b:s25+s4] =	stream.linear.scatter [tilespmem:s26], [sflag:$0x1], $0x80, $0x38;
	[tilespmem:$0x1C000] =	vst v63  }
0x18e: {  	s28 =	sadd.s32 $0x40, s13  }
0x18f: {  	[hbm4b:s28+s4] =	stream.linear.scatter [tilespmem:s19], [sflag:$0x1], $0x80, $0x38;
	[tilespmem:$0x1C000] =	vst v63  }
0x190: {  	s29 =	sadd.s32 $0x50, s13  }
0x191: {  	[hbm4b:s29+s4] =	stream.linear.scatter [tilespmem:s20], [sflag:$0x1], $0x80, $0x38;
	[tilespmem:$0x1C000] =	vst v63  }
0x192: {  	s30 =	sadd.s32 $0x60, s13  }
0x193: {  	[hbm4b:s30+s4] =	stream.linear.scatter [tilespmem:s21], [sflag:$0x1], $0x80, $0x38;
	[tilespmem:$0x1C000] =	vst v63  }
.Ltmp10:
0x194: {  	s31 =	sadd.s32 $0x70, s13;
	(pc) =	sbr.rel .LBB2_17-.Ltmp10, $4  }
0x195: {  	[hbm4b:s31+s4] =	stream.linear.scatter [tilespmem:s22], [sflag:$0x1], $0x80, $0x38;
	[tilespmem:$0x1C000] =	vst v63  }
0x196: {  	_ =	swait.ge [sflag:s18], $0x400  }
0x197: {  	[sflag:s18] =	ssyncset.done $0x0  }
0x198: {  	[sflag:s18] =	ssyncadd.s32 $0xFFFFFC00  }
.LBB2_18:
0x199: {  	_ =	sfence.sel $0x180000  }
0x19a: {  	[bflag:$0x0] =	sbarrier.arrive $0xFFFF  }
0x19b: {  	_ =	strace $0x90000047  }
0x19c: {  	s0 =	stileid.u32;
	[bflag:$0x2] =	sbarrier.arrive $0xFFFF  }
0x19d: {  	p0 =	sne.s32 s0, $0x0;
	s0 =	rddreg [dreg:$0x2]  }
0x19e: {  	s0 =	sadd.s32 @!p0 $0x100000, s0  }
0x19f: {  	[sflag:s0] =	ssyncadd.tile.s32 @!p0 $0x1;
	_ =	shalt  }
.Lfunc_end2:
_tile_overlayer_lowered:
.L_overlay_start_2:
0x1a0: {  	(tag) =	ssettag $0x2  }
0x1a1: {  	s0 =	rddreg [dreg:$0x0];
	s2 =	stileid.u32  }
0x1a2: {  	s1 =	rddreg [dreg:$0x1];
	p0 =	sne.s32 s2, $0x0  }
0x1a3: {  	s3 =	rddreg [dreg:$0x2];
	[bflag:$0x3] =	sbarrier.arrive $0xFFFF;
	s2 =	simm.s32 @!p0 $0x1C01  }
0x1a4: {  	[timem:s3], [sflag:s2] =	dma.local @!p0 [hbm:s0], s1  }
0x1a5: {  	s0 =	simm.s32 @!p0 $0x1  }
0x1a6: {  	_ =	swait.ge @!p0 [sflag:s0], s1  }
0x1a7: {  	s1 =	ssub.s32 @!p0 $0x0, s1;
	[sflag:s0] =	ssyncset.done @!p0 $0x0  }
0x1a8: {  	[sflag:s0] =	ssyncadd.s32 @!p0 s1  }
0x1a9: {  	[bflag:$0x3] =	sbarrier.arrive $0xFFFF  }
0x1aa: {  	_ =	shalt  }

</sc_bundles>
